<compile_context>
chip_gen: v7x
topology: tpu7x:2x2x1
jax: 0.10.2.dev20260603
libtpu: 0.0.44.dev20260713+nightly
codegen_flags: <defaults>
</compile_context>

<pallas_src>
import functools

import jax
import jax.numpy as jnp
from jax import lax
from jax.experimental import pallas as pl
from jax.experimental.pallas import tpu as pltpu
from jax.experimental.pallas import tpu_sc as plsc

N_STATES = 1000000
H = 64
B = 16384

_SBLK = 32768
_NBLK = (N_STATES + _SBLK - 1) // _SBLK
_SPAD = _NBLK * _SBLK
_NTILE = _SPAD // 128

_info = plsc.get_sparse_core_info()
_NC, _NS = _info.num_cores, _info.num_subcores
_NW = _NC * _NS
_BPW = B // _NW
_CH = 128
_NCH = _BPW // _CH

_mesh = plsc.VectorSubcoreMesh(core_axis_name="c", subcore_axis_name="s")


def _tc_sweep_body(tablet_ref, w_ref, b_ref, y_ref):
    h = jnp.tanh(tablet_ref[...])
    y = jax.lax.dot_general(
        w_ref[...], h, (((1,), (0,)), ((), ())),
        preferred_element_type=jnp.float32,
    )
    y_ref[...] = y + b_ref[...]


@functools.partial(
    pl.kernel,
    mesh=_mesh,
    out_type=jax.ShapeDtypeStruct((B // 128, 2, 128), jnp.float32),
    scratch_types=[
        pltpu.VMEM((_NCH, _CH), jnp.int32),
        pltpu.VMEM((_NCH, _CH), jnp.int32),
        pltpu.VMEM((2, _CH, 2, 128), jnp.float32),
        pltpu.VMEM((_NCH, 2, _CH), jnp.float32),
        pltpu.SemaphoreType.DMA,
        pltpu.SemaphoreType.DMA,
    ],
    compiler_params=pltpu.CompilerParams(
        use_tc_tiling_on_sc=False, needs_layout_passes=False
    ),
)
def _sc_gather(idx_hbm, y3_hbm, out_hbm, idx_v, tidx_v, tiles_v, rows_v, s0, s1):
    wid = lax.axis_index("s") * _NC + lax.axis_index("c")
    pltpu.sync_copy(idx_hbm.at[wid], idx_v)
    zeros16 = jnp.zeros((16,), jnp.int32)
    ones16 = zeros16 + 1
    iota16 = lax.iota(jnp.int32, 16)
    sems = [s0, s1]
    for j in range(_NCH):
        for g in range(_CH // 16):
            vec = idx_v[j, pl.ds(g * 16, 16)]
            tidx_v[j, pl.ds(g * 16, 16)] = vec >> 7
    fires = []
    for j in range(min(2, _NCH)):
        fires.append(
            pltpu.async_copy(
                y3_hbm.at[tidx_v.at[j]], tiles_v.at[j % 2], sems[j % 2]
            )
        )
    for j in range(_NCH):
        fires[j].wait()
        buf = tiles_v.at[j % 2]
        for g in range(_CH // 16):
            vec = idx_v[j, pl.ds(g * 16, 16)]
            lane = vec & 127
            slot = iota16 + (g * 16)
            y0 = plsc.load_gather(buf, [slot, zeros16, lane])
            y1 = plsc.load_gather(buf, [slot, ones16, lane])
            rows_v[j, 0, pl.ds(g * 16, 16)] = y0
            rows_v[j, 1, pl.ds(g * 16, 16)] = y1
        if j + 2 < _NCH:
            fires.append(
                pltpu.async_copy(
                    y3_hbm.at[tidx_v.at[j + 2]], tiles_v.at[j % 2], sems[j % 2]
                )
            )
    pltpu.sync_copy(rows_v, out_hbm.at[pl.ds(wid * _NCH, _NCH)])


def kernel(state_index, emb_table, lin_w, lin_b):
    idx = state_index.astype(jnp.int32).reshape(_NW, _NCH, _CH)
    tablet = emb_table.T
    y = pl.pallas_call(
        _tc_sweep_body,
        grid=(_NBLK,),
        in_specs=[
            pl.BlockSpec((H, _SBLK), lambda k: (0, k)),
            pl.BlockSpec((2, H), lambda k: (0, 0)),
            pl.BlockSpec((2, 1), lambda k: (0, 0)),
        ],
        out_specs=pl.BlockSpec((2, _SBLK), lambda k: (0, k)),
        out_shape=jax.ShapeDtypeStruct((2, _SPAD), jnp.float32),
    )(tablet, lin_w, lin_b.reshape(2, 1))
    y3 = y.reshape(2, _NTILE, 128).transpose(1, 0, 2)
    out3 = _sc_gather(idx, y3)
    return out3.transpose(1, 0, 2).reshape(2, B).T

# --- scband reference (transcript-rebuilt; emitter-appended) ---
"""Pipeline reference for scband-policy-net-17815524343828 (READ-ONLY COPY).

The authoritative reference and input builder live on the scoring server;
editing this copy changes nothing except your own understanding.
"""

import jax, jax.numpy as jnp
import numpy as np

N_STATES = 1000000
HIDDEN_DIM = 64
BATCH = 16384

def setup_inputs(seed: int = 0) -> dict:
    key = jax.random.key(seed)
    k1, k2, k3, k4 = jax.random.split(key, 4)
    state_index = jax.random.randint(k1, (BATCH,), 0, N_STATES, dtype=jnp.int64)
    emb_table = jax.random.normal(k2, (N_STATES, HIDDEN_DIM), dtype=jnp.float32)
    # nn.Linear(hidden_dim, 2): weight [2, hidden_dim], bias [2]
    bound = 1.0 / np.sqrt(HIDDEN_DIM)
    lin_w = jax.random.uniform(k3, (2, HIDDEN_DIM), minval=-bound, maxval=bound, dtype=jnp.float32)
    lin_b = jax.random.uniform(k4, (2,), minval=-bound, maxval=bound, dtype=jnp.float32)
    return {"state_index": state_index, "emb_table": emb_table, "lin_w": lin_w, "lin_b": lin_b}

def reference(state_index, emb_table, lin_w, lin_b):
    # Embedding lookup (gather)
    emb = jnp.take(emb_table, state_index, axis=0)  # [B, H]
    h = jnp.tanh(emb)
    logits = h @ lin_w.T + lin_b  # [B, 2]
    return logits

if __name__ == "__main__":
    import jax
    _d = setup_inputs()
    print(jax.jit(kernel)(*tuple(_d.values())))

</pallas_src>

<mosaic_0001>
#map = affine_map<(d0, d1) -> (0, 0, 0)>
module attributes {stable_mosaic.version = 14 : i64} {
  func.func @_sc_gather(%arg0: i32, %arg1: i32, %arg2: memref<32x4x128xi32, #tpu.memory_space<hbm>>, %arg3: memref<7936x2x128xf32, #tpu.memory_space<hbm>>, %arg4: memref<128x2x128xf32, #tpu.memory_space<hbm>>, %arg5: memref<4x128xi32, #tpu.memory_space<vmem>>, %arg6: memref<4x128xi32, #tpu.memory_space<vmem>>, %arg7: memref<2x128x2x128xf32, #tpu.memory_space<vmem>>, %arg8: memref<4x2x128xf32, #tpu.memory_space<vmem>>, %arg9: memref<!tpu.dma_semaphore, #tpu.memory_space<semaphore_mem>>, %arg10: memref<!tpu.dma_semaphore, #tpu.memory_space<semaphore_mem>>) attributes {dimension_semantics = [#tpu.dimension_semantics<core_parallel>, #tpu.dimension_semantics<subcore_parallel>], iteration_bounds = array<i64: 2, 16>, scalar_prefetch = 0 : i64, scratch_operands = 6 : i64, tpu.core_type = #tpu.core_type<sc_vector_subcore>, window_params = [{transform_indices = #map}, {transform_indices = #map}, {transform_indices = #map}]} {
    %mul3A = arith.constant 2 : i32
    %mul3A_0 = arith.muli %arg1, %mul3A : i32
    %add3A = arith.addi %mul3A_0, %arg0 : i32
    "tpu.region"() ({
      %run_scoped3A = tpu.sem_alloc : memref<!tpu.dma_semaphore, #tpu.memory_space<semaphore_mem>>
      %dma_start3A_1616 = arith.constant 0 : i32
      %dma_start3A_1617 = arith.constant 0 : i32
      %dma_start3A_1618 = tpu.memref_slice %arg2[%add3A, %dma_start3A_1616, %dma_start3A_1617] : memref<32x4x128xi32, #tpu.memory_space<hbm>> -> memref<1x4x128xi32, #tpu.memory_space<hbm>>
      %dma_start3A_1619 = tpu.memref_squeeze %dma_start3A_1618 : memref<1x4x128xi32, #tpu.memory_space<hbm>> -> memref<4x128xi32, #tpu.memory_space<hbm>>
      %dma_start3A_1620 = arith.constant 0 : i32
      %dma_start3A_1621 = arith.constant 0 : i32
      %dma_start3A_1622 = tpu.memref_slice %arg2[%add3A, %dma_start3A_1620, %dma_start3A_1621] : memref<32x4x128xi32, #tpu.memory_space<hbm>> -> memref<1x4x128xi32, #tpu.memory_space<hbm>>
      %dma_start3A_1623 = tpu.memref_squeeze %dma_start3A_1622 : memref<1x4x128xi32, #tpu.memory_space<hbm>> -> memref<4x128xi32, #tpu.memory_space<hbm>>
      tpu.enqueue_dma source(%dma_start3A_1623 : memref<4x128xi32, #tpu.memory_space<hbm>>) target(%arg5 : memref<4x128xi32, #tpu.memory_space<vmem>>) target_semaphore(%run_scoped3A : memref<!tpu.dma_semaphore, #tpu.memory_space<semaphore_mem>>)
      %dma_wait3A_1624 = arith.constant 0 : i32
      %dma_wait3A_1625 = arith.constant 0 : i32
      %dma_wait3A_1626 = tpu.memref_slice %arg2[%add3A, %dma_wait3A_1624, %dma_wait3A_1625] : memref<32x4x128xi32, #tpu.memory_space<hbm>> -> memref<1x4x128xi32, #tpu.memory_space<hbm>>
      %dma_wait3A_1627 = tpu.memref_squeeze %dma_wait3A_1626 : memref<1x4x128xi32, #tpu.memory_space<hbm>> -> memref<4x128xi32, #tpu.memory_space<hbm>>
      %dma_wait3A_1628 = arith.constant 0 : i32
      %dma_wait3A_1629 = arith.constant 0 : i32
      %dma_wait3A_1630 = tpu.memref_slice %arg2[%add3A, %dma_wait3A_1628, %dma_wait3A_1629] : memref<32x4x128xi32, #tpu.memory_space<hbm>> -> memref<1x4x128xi32, #tpu.memory_space<hbm>>
      %dma_wait3A_1631 = tpu.memref_squeeze %dma_wait3A_1630 : memref<1x4x128xi32, #tpu.memory_space<hbm>> -> memref<4x128xi32, #tpu.memory_space<hbm>>
      tpu.wait_dma2 semaphore(%run_scoped3A : memref<!tpu.dma_semaphore, #tpu.memory_space<semaphore_mem>>) src(%dma_wait3A_1631 : memref<4x128xi32, #tpu.memory_space<hbm>>) dst(%arg5 : memref<4x128xi32, #tpu.memory_space<vmem>>)
      tpu.yield
    }) : () -> ()
    %broadcast_in_dim3A = arith.constant 0 : i32
    %broadcast_in_dim3A_1 = vector.broadcast %broadcast_in_dim3A : i32 to vector<16xi32>
    %add3A_2 = arith.constant 1 : i32
    %add3A_3 = vector.broadcast %add3A_2 : i32 to vector<16xi32>
    %add3A_4 = arith.addi %broadcast_in_dim3A_1, %add3A_3 : vector<16xi32>
    %iota3A = tpu.iota {dimensions = array<i32: 0>} : vector<16xi32>
    %get3A = arith.constant 0 : i32
    %get3A_5 = arith.index_cast %get3A : i32 to index
    %get3A_6 = arith.constant 0 : index
    %get3A_7 = tpu.vector_load %arg5[%get3A_5, %get3A_6] {strides = array<i32>} : memref<4x128xi32, #tpu.memory_space<vmem>>, vector<16xi32>,
    %shift_right_arithmetic3A = arith.constant 7 : i32
    %shift_right_arithmetic3A_8 = vector.broadcast %shift_right_arithmetic3A : i32 to vector<16xi32>
    %shift_right_arithmetic3A_9 = arith.shrsi %get3A_7, %shift_right_arithmetic3A_8 : vector<16xi32>
    %swap3A = arith.constant 0 : i32
    %swap3A_10 = arith.index_cast %swap3A : i32 to index
    %swap3A_11 = arith.constant 0 : index
    %swap3A_12 = tpu.vector_load %arg6[%swap3A_10, %swap3A_11] {strides = array<i32>} : memref<4x128xi32, #tpu.memory_space<vmem>>, vector<16xi32>,
    tpu.vector_store %arg6[%swap3A_10, %swap3A_11], %shift_right_arithmetic3A_9 {strides = array<i32>} : memref<4x128xi32, #tpu.memory_space<vmem>>, vector<16xi32>,
    %get3A_13 = arith.constant 0 : i32
    %get3A_14 = arith.index_cast %get3A_13 : i32 to index
    %get3A_15 = arith.constant 16 : index
    %get3A_16 = tpu.vector_load %arg5[%get3A_14, %get3A_15] {strides = array<i32>} : memref<4x128xi32, #tpu.memory_space<vmem>>, vector<16xi32>,
    %shift_right_arithmetic3A_17 = arith.constant 7 : i32
    %shift_right_arithmetic3A_18 = vector.broadcast %shift_right_arithmetic3A_17 : i32 to vector<16xi32>
    %shift_right_arithmetic3A_19 = arith.shrsi %get3A_16, %shift_right_arithmetic3A_18 : vector<16xi32>
    %swap3A_20 = arith.constant 0 : i32
    %swap3A_21 = arith.index_cast %swap3A_20 : i32 to index
    %swap3A_22 = arith.constant 16 : index
    %swap3A_23 = tpu.vector_load %arg6[%swap3A_21, %swap3A_22] {strides = array<i32>} : memref<4x128xi32, #tpu.memory_space<vmem>>, vector<16xi32>,
    tpu.vector_store %arg6[%swap3A_21, %swap3A_22], %shift_right_arithmetic3A_19 {strides = array<i32>} : memref<4x128xi32, #tpu.memory_space<vmem>>, vector<16xi32>,
    %get3A_24 = arith.constant 0 : i32
    %get3A_25 = arith.index_cast %get3A_24 : i32 to index
    %get3A_26 = arith.constant 32 : index
    %get3A_27 = tpu.vector_load %arg5[%get3A_25, %get3A_26] {strides = array<i32>} : memref<4x128xi32, #tpu.memory_space<vmem>>, vector<16xi32>,
    %shift_right_arithmetic3A_28 = arith.constant 7 : i32
    %shift_right_arithmetic3A_29 = vector.broadcast %shift_right_arithmetic3A_28 : i32 to vector<16xi32>
    %shift_right_arithmetic3A_30 = arith.shrsi %get3A_27, %shift_right_arithmetic3A_29 : vector<16xi32>
    %swap3A_31 = arith.constant 0 : i32
    %swap3A_32 = arith.index_cast %swap3A_31 : i32 to index
    %swap3A_33 = arith.constant 32 : index
    %swap3A_34 = tpu.vector_load %arg6[%swap3A_32, %swap3A_33] {strides = array<i32>} : memref<4x128xi32, #tpu.memory_space<vmem>>, vector<16xi32>,
    tpu.vector_store %arg6[%swap3A_32, %swap3A_33], %shift_right_arithmetic3A_30 {strides = array<i32>} : memref<4x128xi32, #tpu.memory_space<vmem>>, vector<16xi32>,
    %get3A_35 = arith.constant 0 : i32
    %get3A_36 = arith.index_cast %get3A_35 : i32 to index
    %get3A_37 = arith.constant 48 : index
    %get3A_38 = tpu.vector_load %arg5[%get3A_36, %get3A_37] {strides = array<i32>} : memref<4x128xi32, #tpu.memory_space<vmem>>, vector<16xi32>,
    %shift_right_arithmetic3A_39 = arith.constant 7 : i32
    %shift_right_arithmetic3A_40 = vector.broadcast %shift_right_arithmetic3A_39 : i32 to vector<16xi32>
    %shift_right_arithmetic3A_41 = arith.shrsi %get3A_38, %shift_right_arithmetic3A_40 : vector<16xi32>
    %swap3A_42 = arith.constant 0 : i32
    %swap3A_43 = arith.index_cast %swap3A_42 : i32 to index
    %swap3A_44 = arith.constant 48 : index
    %swap3A_45 = tpu.vector_load %arg6[%swap3A_43, %swap3A_44] {strides = array<i32>} : memref<4x128xi32, #tpu.memory_space<vmem>>, vector<16xi32>,
    tpu.vector_store %arg6[%swap3A_43, %swap3A_44], %shift_right_arithmetic3A_41 {strides = array<i32>} : memref<4x128xi32, #tpu.memory_space<vmem>>, vector<16xi32>,
    %get3A_46 = arith.constant 0 : i32
    %get3A_47 = arith.index_cast %get3A_46 : i32 to index
    %get3A_48 = arith.constant 64 : index
    %get3A_49 = tpu.vector_load %arg5[%get3A_47, %get3A_48] {strides = array<i32>} : memref<4x128xi32, #tpu.memory_space<vmem>>, vector<16xi32>,
    %shift_right_arithmetic3A_50 = arith.constant 7 : i32
    %shift_right_arithmetic3A_51 = vector.broadcast %shift_right_arithmetic3A_50 : i32 to vector<16xi32>
    %shift_right_arithmetic3A_52 = arith.shrsi %get3A_49, %shift_right_arithmetic3A_51 : vector<16xi32>
    %swap3A_53 = arith.constant 0 : i32
    %swap3A_54 = arith.index_cast %swap3A_53 : i32 to index
    %swap3A_55 = arith.constant 64 : index
    %swap3A_56 = tpu.vector_load %arg6[%swap3A_54, %swap3A_55] {strides = array<i32>} : memref<4x128xi32, #tpu.memory_space<vmem>>, vector<16xi32>,
    tpu.vector_store %arg6[%swap3A_54, %swap3A_55], %shift_right_arithmetic3A_52 {strides = array<i32>} : memref<4x128xi32, #tpu.memory_space<vmem>>, vector<16xi32>,
    %get3A_57 = arith.constant 0 : i32
    %get3A_58 = arith.index_cast %get3A_57 : i32 to index
    %get3A_59 = arith.constant 80 : index
    %get3A_60 = tpu.vector_load %arg5[%get3A_58, %get3A_59] {strides = array<i32>} : memref<4x128xi32, #tpu.memory_space<vmem>>, vector<16xi32>,
    %shift_right_arithmetic3A_61 = arith.constant 7 : i32
    %shift_right_arithmetic3A_62 = vector.broadcast %shift_right_arithmetic3A_61 : i32 to vector<16xi32>
    %shift_right_arithmetic3A_63 = arith.shrsi %get3A_60, %shift_right_arithmetic3A_62 : vector<16xi32>
    %swap3A_64 = arith.constant 0 : i32
    %swap3A_65 = arith.index_cast %swap3A_64 : i32 to index
    %swap3A_66 = arith.constant 80 : index
    %swap3A_67 = tpu.vector_load %arg6[%swap3A_65, %swap3A_66] {strides = array<i32>} : memref<4x128xi32, #tpu.memory_space<vmem>>, vector<16xi32>,
    tpu.vector_store %arg6[%swap3A_65, %swap3A_66], %shift_right_arithmetic3A_63 {strides = array<i32>} : memref<4x128xi32, #tpu.memory_space<vmem>>, vector<16xi32>,
    %get3A_68 = arith.constant 0 : i32
    %get3A_69 = arith.index_cast %get3A_68 : i32 to index
    %get3A_70 = arith.constant 96 : index
    %get3A_71 = tpu.vector_load %arg5[%get3A_69, %get3A_70] {strides = array<i32>} : memref<4x128xi32, #tpu.memory_space<vmem>>, vector<16xi32>,
    %shift_right_arithmetic3A_72 = arith.constant 7 : i32
    %shift_right_arithmetic3A_73 = vector.broadcast %shift_right_arithmetic3A_72 : i32 to vector<16xi32>
    %shift_right_arithmetic3A_74 = arith.shrsi %get3A_71, %shift_right_arithmetic3A_73 : vector<16xi32>
    %swap3A_75 = arith.constant 0 : i32
    %swap3A_76 = arith.index_cast %swap3A_75 : i32 to index
    %swap3A_77 = arith.constant 96 : index
    %swap3A_78 = tpu.vector_load %arg6[%swap3A_76, %swap3A_77] {strides = array<i32>} : memref<4x128xi32, #tpu.memory_space<vmem>>, vector<16xi32>,
    tpu.vector_store %arg6[%swap3A_76, %swap3A_77], %shift_right_arithmetic3A_74 {strides = array<i32>} : memref<4x128xi32, #tpu.memory_space<vmem>>, vector<16xi32>,
    %get3A_79 = arith.constant 0 : i32
    %get3A_80 = arith.index_cast %get3A_79 : i32 to index
    %get3A_81 = arith.constant 112 : index
    %get3A_82 = tpu.vector_load %arg5[%get3A_80, %get3A_81] {strides = array<i32>} : memref<4x128xi32, #tpu.memory_space<vmem>>, vector<16xi32>,
    %shift_right_arithmetic3A_83 = arith.constant 7 : i32
    %shift_right_arithmetic3A_84 = vector.broadcast %shift_right_arithmetic3A_83 : i32 to vector<16xi32>
    %shift_right_arithmetic3A_85 = arith.shrsi %get3A_82, %shift_right_arithmetic3A_84 : vector<16xi32>
    %swap3A_86 = arith.constant 0 : i32
    %swap3A_87 = arith.index_cast %swap3A_86 : i32 to index
    %swap3A_88 = arith.constant 112 : index
    %swap3A_89 = tpu.vector_load %arg6[%swap3A_87, %swap3A_88] {strides = array<i32>} : memref<4x128xi32, #tpu.memory_space<vmem>>, vector<16xi32>,
    tpu.vector_store %arg6[%swap3A_87, %swap3A_88], %shift_right_arithmetic3A_85 {strides = array<i32>} : memref<4x128xi32, #tpu.memory_space<vmem>>, vector<16xi32>,
    %get3A_90 = arith.constant 1 : i32
    %get3A_91 = arith.index_cast %get3A_90 : i32 to index
    %get3A_92 = arith.constant 0 : index
    %get3A_93 = tpu.vector_load %arg5[%get3A_91, %get3A_92] {strides = array<i32>} : memref<4x128xi32, #tpu.memory_space<vmem>>, vector<16xi32>,
    %shift_right_arithmetic3A_94 = arith.constant 7 : i32
    %shift_right_arithmetic3A_95 = vector.broadcast %shift_right_arithmetic3A_94 : i32 to vector<16xi32>
    %shift_right_arithmetic3A_96 = arith.shrsi %get3A_93, %shift_right_arithmetic3A_95 : vector<16xi32>
    %swap3A_97 = arith.constant 1 : i32
    %swap3A_98 = arith.index_cast %swap3A_97 : i32 to index
    %swap3A_99 = arith.constant 0 : index
    %swap3A_100 = tpu.vector_load %arg6[%swap3A_98, %swap3A_99] {strides = array<i32>} : memref<4x128xi32, #tpu.memory_space<vmem>>, vector<16xi32>,
    tpu.vector_store %arg6[%swap3A_98, %swap3A_99], %shift_right_arithmetic3A_96 {strides = array<i32>} : memref<4x128xi32, #tpu.memory_space<vmem>>, vector<16xi32>,
    %get3A_101 = arith.constant 1 : i32
    %get3A_102 = arith.index_cast %get3A_101 : i32 to index
    %get3A_103 = arith.constant 16 : index
    %get3A_104 = tpu.vector_load %arg5[%get3A_102, %get3A_103] {strides = array<i32>} : memref<4x128xi32, #tpu.memory_space<vmem>>, vector<16xi32>,
    %shift_right_arithmetic3A_105 = arith.constant 7 : i32
    %shift_right_arithmetic3A_106 = vector.broadcast %shift_right_arithmetic3A_105 : i32 to vector<16xi32>
    %shift_right_arithmetic3A_107 = arith.shrsi %get3A_104, %shift_right_arithmetic3A_106 : vector<16xi32>
    %swap3A_108 = arith.constant 1 : i32
    %swap3A_109 = arith.index_cast %swap3A_108 : i32 to index
    %swap3A_110 = arith.constant 16 : index
    %swap3A_111 = tpu.vector_load %arg6[%swap3A_109, %swap3A_110] {strides = array<i32>} : memref<4x128xi32, #tpu.memory_space<vmem>>, vector<16xi32>,
    tpu.vector_store %arg6[%swap3A_109, %swap3A_110], %shift_right_arithmetic3A_107 {strides = array<i32>} : memref<4x128xi32, #tpu.memory_space<vmem>>, vector<16xi32>,
    %get3A_112 = arith.constant 1 : i32
    %get3A_113 = arith.index_cast %get3A_112 : i32 to index
    %get3A_114 = arith.constant 32 : index
    %get3A_115 = tpu.vector_load %arg5[%get3A_113, %get3A_114] {strides = array<i32>} : memref<4x128xi32, #tpu.memory_space<vmem>>, vector<16xi32>,
    %shift_right_arithmetic3A_116 = arith.constant 7 : i32
    %shift_right_arithmetic3A_117 = vector.broadcast %shift_right_arithmetic3A_116 : i32 to vector<16xi32>
    %shift_right_arithmetic3A_118 = arith.shrsi %get3A_115, %shift_right_arithmetic3A_117 : vector<16xi32>
    %swap3A_119 = arith.constant 1 : i32
    %swap3A_120 = arith.index_cast %swap3A_119 : i32 to index
    %swap3A_121 = arith.constant 32 : index
    %swap3A_122 = tpu.vector_load %arg6[%swap3A_120, %swap3A_121] {strides = array<i32>} : memref<4x128xi32, #tpu.memory_space<vmem>>, vector<16xi32>,
    tpu.vector_store %arg6[%swap3A_120, %swap3A_121], %shift_right_arithmetic3A_118 {strides = array<i32>} : memref<4x128xi32, #tpu.memory_space<vmem>>, vector<16xi32>,
    %get3A_123 = arith.constant 1 : i32
    %get3A_124 = arith.index_cast %get3A_123 : i32 to index
    %get3A_125 = arith.constant 48 : index
    %get3A_126 = tpu.vector_load %arg5[%get3A_124, %get3A_125] {strides = array<i32>} : memref<4x128xi32, #tpu.memory_space<vmem>>, vector<16xi32>,
    %shift_right_arithmetic3A_127 = arith.constant 7 : i32
    %shift_right_arithmetic3A_128 = vector.broadcast %shift_right_arithmetic3A_127 : i32 to vector<16xi32>
    %shift_right_arithmetic3A_129 = arith.shrsi %get3A_126, %shift_right_arithmetic3A_128 : vector<16xi32>
    %swap3A_130 = arith.constant 1 : i32
    %swap3A_131 = arith.index_cast %swap3A_130 : i32 to index
    %swap3A_132 = arith.constant 48 : index
    %swap3A_133 = tpu.vector_load %arg6[%swap3A_131, %swap3A_132] {strides = array<i32>} : memref<4x128xi32, #tpu.memory_space<vmem>>, vector<16xi32>,
    tpu.vector_store %arg6[%swap3A_131, %swap3A_132], %shift_right_arithmetic3A_129 {strides = array<i32>} : memref<4x128xi32, #tpu.memory_space<vmem>>, vector<16xi32>,
    %get3A_134 = arith.constant 1 : i32
    %get3A_135 = arith.index_cast %get3A_134 : i32 to index
    %get3A_136 = arith.constant 64 : index
    %get3A_137 = tpu.vector_load %arg5[%get3A_135, %get3A_136] {strides = array<i32>} : memref<4x128xi32, #tpu.memory_space<vmem>>, vector<16xi32>,
    %shift_right_arithmetic3A_138 = arith.constant 7 : i32
    %shift_right_arithmetic3A_139 = vector.broadcast %shift_right_arithmetic3A_138 : i32 to vector<16xi32>
    %shift_right_arithmetic3A_140 = arith.shrsi %get3A_137, %shift_right_arithmetic3A_139 : vector<16xi32>
    %swap3A_141 = arith.constant 1 : i32
    %swap3A_142 = arith.index_cast %swap3A_141 : i32 to index
    %swap3A_143 = arith.constant 64 : index
    %swap3A_144 = tpu.vector_load %arg6[%swap3A_142, %swap3A_143] {strides = array<i32>} : memref<4x128xi32, #tpu.memory_space<vmem>>, vector<16xi32>,
    tpu.vector_store %arg6[%swap3A_142, %swap3A_143], %shift_right_arithmetic3A_140 {strides = array<i32>} : memref<4x128xi32, #tpu.memory_space<vmem>>, vector<16xi32>,
    %get3A_145 = arith.constant 1 : i32
    %get3A_146 = arith.index_cast %get3A_145 : i32 to index
    %get3A_147 = arith.constant 80 : index
    %get3A_148 = tpu.vector_load %arg5[%get3A_146, %get3A_147] {strides = array<i32>} : memref<4x128xi32, #tpu.memory_space<vmem>>, vector<16xi32>,
    %shift_right_arithmetic3A_149 = arith.constant 7 : i32
    %shift_right_arithmetic3A_150 = vector.broadcast %shift_right_arithmetic3A_149 : i32 to vector<16xi32>
    %shift_right_arithmetic3A_151 = arith.shrsi %get3A_148, %shift_right_arithmetic3A_150 : vector<16xi32>
    %swap3A_152 = arith.constant 1 : i32
    %swap3A_153 = arith.index_cast %swap3A_152 : i32 to index
    %swap3A_154 = arith.constant 80 : index
    %swap3A_155 = tpu.vector_load %arg6[%swap3A_153, %swap3A_154] {strides = array<i32>} : memref<4x128xi32, #tpu.memory_space<vmem>>, vector<16xi32>,
    tpu.vector_store %arg6[%swap3A_153, %swap3A_154], %shift_right_arithmetic3A_151 {strides = array<i32>} : memref<4x128xi32, #tpu.memory_space<vmem>>, vector<16xi32>,
    %get3A_156 = arith.constant 1 : i32
    %get3A_157 = arith.index_cast %get3A_156 : i32 to index
    %get3A_158 = arith.constant 96 : index
    %get3A_159 = tpu.vector_load %arg5[%get3A_157, %get3A_158] {strides = array<i32>} : memref<4x128xi32, #tpu.memory_space<vmem>>, vector<16xi32>,
    %shift_right_arithmetic3A_160 = arith.constant 7 : i32
    %shift_right_arithmetic3A_161 = vector.broadcast %shift_right_arithmetic3A_160 : i32 to vector<16xi32>
    %shift_right_arithmetic3A_162 = arith.shrsi %get3A_159, %shift_right_arithmetic3A_161 : vector<16xi32>
    %swap3A_163 = arith.constant 1 : i32
    %swap3A_164 = arith.index_cast %swap3A_163 : i32 to index
    %swap3A_165 = arith.constant 96 : index
    %swap3A_166 = tpu.vector_load %arg6[%swap3A_164, %swap3A_165] {strides = array<i32>} : memref<4x128xi32, #tpu.memory_space<vmem>>, vector<16xi32>,
    tpu.vector_store %arg6[%swap3A_164, %swap3A_165], %shift_right_arithmetic3A_162 {strides = array<i32>} : memref<4x128xi32, #tpu.memory_space<vmem>>, vector<16xi32>,
    %get3A_167 = arith.constant 1 : i32
    %get3A_168 = arith.index_cast %get3A_167 : i32 to index
    %get3A_169 = arith.constant 112 : index
    %get3A_170 = tpu.vector_load %arg5[%get3A_168, %get3A_169] {strides = array<i32>} : memref<4x128xi32, #tpu.memory_space<vmem>>, vector<16xi32>,
    %shift_right_arithmetic3A_171 = arith.constant 7 : i32
    %shift_right_arithmetic3A_172 = vector.broadcast %shift_right_arithmetic3A_171 : i32 to vector<16xi32>
    %shift_right_arithmetic3A_173 = arith.shrsi %get3A_170, %shift_right_arithmetic3A_172 : vector<16xi32>
    %swap3A_174 = arith.constant 1 : i32
    %swap3A_175 = arith.index_cast %swap3A_174 : i32 to index
    %swap3A_176 = arith.constant 112 : index
    %swap3A_177 = tpu.vector_load %arg6[%swap3A_175, %swap3A_176] {strides = array<i32>} : memref<4x128xi32, #tpu.memory_space<vmem>>, vector<16xi32>,
    tpu.vector_store %arg6[%swap3A_175, %swap3A_176], %shift_right_arithmetic3A_173 {strides = array<i32>} : memref<4x128xi32, #tpu.memory_space<vmem>>, vector<16xi32>,
    %get3A_178 = arith.constant 2 : i32
    %get3A_179 = arith.index_cast %get3A_178 : i32 to index
    %get3A_180 = arith.constant 0 : index
    %get3A_181 = tpu.vector_load %arg5[%get3A_179, %get3A_180] {strides = array<i32>} : memref<4x128xi32, #tpu.memory_space<vmem>>, vector<16xi32>,
    %shift_right_arithmetic3A_182 = arith.constant 7 : i32
    %shift_right_arithmetic3A_183 = vector.broadcast %shift_right_arithmetic3A_182 : i32 to vector<16xi32>
    %shift_right_arithmetic3A_184 = arith.shrsi %get3A_181, %shift_right_arithmetic3A_183 : vector<16xi32>
    %swap3A_185 = arith.constant 2 : i32
    %swap3A_186 = arith.index_cast %swap3A_185 : i32 to index
    %swap3A_187 = arith.constant 0 : index
    %swap3A_188 = tpu.vector_load %arg6[%swap3A_186, %swap3A_187] {strides = array<i32>} : memref<4x128xi32, #tpu.memory_space<vmem>>, vector<16xi32>,
    tpu.vector_store %arg6[%swap3A_186, %swap3A_187], %shift_right_arithmetic3A_184 {strides = array<i32>} : memref<4x128xi32, #tpu.memory_space<vmem>>, vector<16xi32>,
    %get3A_189 = arith.constant 2 : i32
    %get3A_190 = arith.index_cast %get3A_189 : i32 to index
    %get3A_191 = arith.constant 16 : index
    %get3A_192 = tpu.vector_load %arg5[%get3A_190, %get3A_191] {strides = array<i32>} : memref<4x128xi32, #tpu.memory_space<vmem>>, vector<16xi32>,
    %shift_right_arithmetic3A_193 = arith.constant 7 : i32
    %shift_right_arithmetic3A_194 = vector.broadcast %shift_right_arithmetic3A_193 : i32 to vector<16xi32>
    %shift_right_arithmetic3A_195 = arith.shrsi %get3A_192, %shift_right_arithmetic3A_194 : vector<16xi32>
    %swap3A_196 = arith.constant 2 : i32
    %swap3A_197 = arith.index_cast %swap3A_196 : i32 to index
    %swap3A_198 = arith.constant 16 : index
    %swap3A_199 = tpu.vector_load %arg6[%swap3A_197, %swap3A_198] {strides = array<i32>} : memref<4x128xi32, #tpu.memory_space<vmem>>, vector<16xi32>,
    tpu.vector_store %arg6[%swap3A_197, %swap3A_198], %shift_right_arithmetic3A_195 {strides = array<i32>} : memref<4x128xi32, #tpu.memory_space<vmem>>, vector<16xi32>,
    %get3A_200 = arith.constant 2 : i32
    %get3A_201 = arith.index_cast %get3A_200 : i32 to index
    %get3A_202 = arith.constant 32 : index
    %get3A_203 = tpu.vector_load %arg5[%get3A_201, %get3A_202] {strides = array<i32>} : memref<4x128xi32, #tpu.memory_space<vmem>>, vector<16xi32>,
    %shift_right_arithmetic3A_204 = arith.constant 7 : i32
    %shift_right_arithmetic3A_205 = vector.broadcast %shift_right_arithmetic3A_204 : i32 to vector<16xi32>
    %shift_right_arithmetic3A_206 = arith.shrsi %get3A_203, %shift_right_arithmetic3A_205 : vector<16xi32>
    %swap3A_207 = arith.constant 2 : i32
    %swap3A_208 = arith.index_cast %swap3A_207 : i32 to index
    %swap3A_209 = arith.constant 32 : index
    %swap3A_210 = tpu.vector_load %arg6[%swap3A_208, %swap3A_209] {strides = array<i32>} : memref<4x128xi32, #tpu.memory_space<vmem>>, vector<16xi32>,
    tpu.vector_store %arg6[%swap3A_208, %swap3A_209], %shift_right_arithmetic3A_206 {strides = array<i32>} : memref<4x128xi32, #tpu.memory_space<vmem>>, vector<16xi32>,
    %get3A_211 = arith.constant 2 : i32
    %get3A_212 = arith.index_cast %get3A_211 : i32 to index
    %get3A_213 = arith.constant 48 : index
    %get3A_214 = tpu.vector_load %arg5[%get3A_212, %get3A_213] {strides = array<i32>} : memref<4x128xi32, #tpu.memory_space<vmem>>, vector<16xi32>,
    %shift_right_arithmetic3A_215 = arith.constant 7 : i32
    %shift_right_arithmetic3A_216 = vector.broadcast %shift_right_arithmetic3A_215 : i32 to vector<16xi32>
    %shift_right_arithmetic3A_217 = arith.shrsi %get3A_214, %shift_right_arithmetic3A_216 : vector<16xi32>
    %swap3A_218 = arith.constant 2 : i32
    %swap3A_219 = arith.index_cast %swap3A_218 : i32 to index
    %swap3A_220 = arith.constant 48 : index
    %swap3A_221 = tpu.vector_load %arg6[%swap3A_219, %swap3A_220] {strides = array<i32>} : memref<4x128xi32, #tpu.memory_space<vmem>>, vector<16xi32>,
    tpu.vector_store %arg6[%swap3A_219, %swap3A_220], %shift_right_arithmetic3A_217 {strides = array<i32>} : memref<4x128xi32, #tpu.memory_space<vmem>>, vector<16xi32>,
    %get3A_222 = arith.constant 2 : i32
    %get3A_223 = arith.index_cast %get3A_222 : i32 to index
    %get3A_224 = arith.constant 64 : index
    %get3A_225 = tpu.vector_load %arg5[%get3A_223, %get3A_224] {strides = array<i32>} : memref<4x128xi32, #tpu.memory_space<vmem>>, vector<16xi32>,
    %shift_right_arithmetic3A_226 = arith.constant 7 : i32
    %shift_right_arithmetic3A_227 = vector.broadcast %shift_right_arithmetic3A_226 : i32 to vector<16xi32>
    %shift_right_arithmetic3A_228 = arith.shrsi %get3A_225, %shift_right_arithmetic3A_227 : vector<16xi32>
    %swap3A_229 = arith.constant 2 : i32
    %swap3A_230 = arith.index_cast %swap3A_229 : i32 to index
    %swap3A_231 = arith.constant 64 : index
    %swap3A_232 = tpu.vector_load %arg6[%swap3A_230, %swap3A_231] {strides = array<i32>} : memref<4x128xi32, #tpu.memory_space<vmem>>, vector<16xi32>,
    tpu.vector_store %arg6[%swap3A_230, %swap3A_231], %shift_right_arithmetic3A_228 {strides = array<i32>} : memref<4x128xi32, #tpu.memory_space<vmem>>, vector<16xi32>,
    %get3A_233 = arith.constant 2 : i32
    %get3A_234 = arith.index_cast %get3A_233 : i32 to index
    %get3A_235 = arith.constant 80 : index
    %get3A_236 = tpu.vector_load %arg5[%get3A_234, %get3A_235] {strides = array<i32>} : memref<4x128xi32, #tpu.memory_space<vmem>>, vector<16xi32>,
    %shift_right_arithmetic3A_237 = arith.constant 7 : i32
    %shift_right_arithmetic3A_238 = vector.broadcast %shift_right_arithmetic3A_237 : i32 to vector<16xi32>
    %shift_right_arithmetic3A_239 = arith.shrsi %get3A_236, %shift_right_arithmetic3A_238 : vector<16xi32>
    %swap3A_240 = arith.constant 2 : i32
    %swap3A_241 = arith.index_cast %swap3A_240 : i32 to index
    %swap3A_242 = arith.constant 80 : index
    %swap3A_243 = tpu.vector_load %arg6[%swap3A_241, %swap3A_242] {strides = array<i32>} : memref<4x128xi32, #tpu.memory_space<vmem>>, vector<16xi32>,
    tpu.vector_store %arg6[%swap3A_241, %swap3A_242], %shift_right_arithmetic3A_239 {strides = array<i32>} : memref<4x128xi32, #tpu.memory_space<vmem>>, vector<16xi32>,
    %get3A_244 = arith.constant 2 : i32
    %get3A_245 = arith.index_cast %get3A_244 : i32 to index
    %get3A_246 = arith.constant 96 : index
    %get3A_247 = tpu.vector_load %arg5[%get3A_245, %get3A_246] {strides = array<i32>} : memref<4x128xi32, #tpu.memory_space<vmem>>, vector<16xi32>,
    %shift_right_arithmetic3A_248 = arith.constant 7 : i32
    %shift_right_arithmetic3A_249 = vector.broadcast %shift_right_arithmetic3A_248 : i32 to vector<16xi32>
    %shift_right_arithmetic3A_250 = arith.shrsi %get3A_247, %shift_right_arithmetic3A_249 : vector<16xi32>
    %swap3A_251 = arith.constant 2 : i32
    %swap3A_252 = arith.index_cast %swap3A_251 : i32 to index
    %swap3A_253 = arith.constant 96 : index
    %swap3A_254 = tpu.vector_load %arg6[%swap3A_252, %swap3A_253] {strides = array<i32>} : memref<4x128xi32, #tpu.memory_space<vmem>>, vector<16xi32>,
    tpu.vector_store %arg6[%swap3A_252, %swap3A_253], %shift_right_arithmetic3A_250 {strides = array<i32>} : memref<4x128xi32, #tpu.memory_space<vmem>>, vector<16xi32>,
    %get3A_255 = arith.constant 2 : i32
    %get3A_256 = arith.index_cast %get3A_255 : i32 to index
    %get3A_257 = arith.constant 112 : index
    %get3A_258 = tpu.vector_load %arg5[%get3A_256, %get3A_257] {strides = array<i32>} : memref<4x128xi32, #tpu.memory_space<vmem>>, vector<16xi32>,
    %shift_right_arithmetic3A_259 = arith.constant 7 : i32
    %shift_right_arithmetic3A_260 = vector.broadcast %shift_right_arithmetic3A_259 : i32 to vector<16xi32>
    %shift_right_arithmetic3A_261 = arith.shrsi %get3A_258, %shift_right_arithmetic3A_260 : vector<16xi32>
    %swap3A_262 = arith.constant 2 : i32
    %swap3A_263 = arith.index_cast %swap3A_262 : i32 to index
    %swap3A_264 = arith.constant 112 : index
    %swap3A_265 = tpu.vector_load %arg6[%swap3A_263, %swap3A_264] {strides = array<i32>} : memref<4x128xi32, #tpu.memory_space<vmem>>, vector<16xi32>,
    tpu.vector_store %arg6[%swap3A_263, %swap3A_264], %shift_right_arithmetic3A_261 {strides = array<i32>} : memref<4x128xi32, #tpu.memory_space<vmem>>, vector<16xi32>,
    %get3A_266 = arith.constant 3 : i32
    %get3A_267 = arith.index_cast %get3A_266 : i32 to index
    %get3A_268 = arith.constant 0 : index
    %get3A_269 = tpu.vector_load %arg5[%get3A_267, %get3A_268] {strides = array<i32>} : memref<4x128xi32, #tpu.memory_space<vmem>>, vector<16xi32>,
    %shift_right_arithmetic3A_270 = arith.constant 7 : i32
    %shift_right_arithmetic3A_271 = vector.broadcast %shift_right_arithmetic3A_270 : i32 to vector<16xi32>
    %shift_right_arithmetic3A_272 = arith.shrsi %get3A_269, %shift_right_arithmetic3A_271 : vector<16xi32>
    %swap3A_273 = arith.constant 3 : i32
    %swap3A_274 = arith.index_cast %swap3A_273 : i32 to index
    %swap3A_275 = arith.constant 0 : index
    %swap3A_276 = tpu.vector_load %arg6[%swap3A_274, %swap3A_275] {strides = array<i32>} : memref<4x128xi32, #tpu.memory_space<vmem>>, vector<16xi32>,
    tpu.vector_store %arg6[%swap3A_274, %swap3A_275], %shift_right_arithmetic3A_272 {strides = array<i32>} : memref<4x128xi32, #tpu.memory_space<vmem>>, vector<16xi32>,
    %get3A_277 = arith.constant 3 : i32
    %get3A_278 = arith.index_cast %get3A_277 : i32 to index
    %get3A_279 = arith.constant 16 : index
    %get3A_280 = tpu.vector_load %arg5[%get3A_278, %get3A_279] {strides = array<i32>} : memref<4x128xi32, #tpu.memory_space<vmem>>, vector<16xi32>,
    %shift_right_arithmetic3A_281 = arith.constant 7 : i32
    %shift_right_arithmetic3A_282 = vector.broadcast %shift_right_arithmetic3A_281 : i32 to vector<16xi32>
    %shift_right_arithmetic3A_283 = arith.shrsi %get3A_280, %shift_right_arithmetic3A_282 : vector<16xi32>
    %swap3A_284 = arith.constant 3 : i32
    %swap3A_285 = arith.index_cast %swap3A_284 : i32 to index
    %swap3A_286 = arith.constant 16 : index
    %swap3A_287 = tpu.vector_load %arg6[%swap3A_285, %swap3A_286] {strides = array<i32>} : memref<4x128xi32, #tpu.memory_space<vmem>>, vector<16xi32>,
    tpu.vector_store %arg6[%swap3A_285, %swap3A_286], %shift_right_arithmetic3A_283 {strides = array<i32>} : memref<4x128xi32, #tpu.memory_space<vmem>>, vector<16xi32>,
    %get3A_288 = arith.constant 3 : i32
    %get3A_289 = arith.index_cast %get3A_288 : i32 to index
    %get3A_290 = arith.constant 32 : index
    %get3A_291 = tpu.vector_load %arg5[%get3A_289, %get3A_290] {strides = array<i32>} : memref<4x128xi32, #tpu.memory_space<vmem>>, vector<16xi32>,
    %shift_right_arithmetic3A_292 = arith.constant 7 : i32
    %shift_right_arithmetic3A_293 = vector.broadcast %shift_right_arithmetic3A_292 : i32 to vector<16xi32>
    %shift_right_arithmetic3A_294 = arith.shrsi %get3A_291, %shift_right_arithmetic3A_293 : vector<16xi32>
    %swap3A_295 = arith.constant 3 : i32
    %swap3A_296 = arith.index_cast %swap3A_295 : i32 to index
    %swap3A_297 = arith.constant 32 : index
    %swap3A_298 = tpu.vector_load %arg6[%swap3A_296, %swap3A_297] {strides = array<i32>} : memref<4x128xi32, #tpu.memory_space<vmem>>, vector<16xi32>,
    tpu.vector_store %arg6[%swap3A_296, %swap3A_297], %shift_right_arithmetic3A_294 {strides = array<i32>} : memref<4x128xi32, #tpu.memory_space<vmem>>, vector<16xi32>,
    %get3A_299 = arith.constant 3 : i32
    %get3A_300 = arith.index_cast %get3A_299 : i32 to index
    %get3A_301 = arith.constant 48 : index
    %get3A_302 = tpu.vector_load %arg5[%get3A_300, %get3A_301] {strides = array<i32>} : memref<4x128xi32, #tpu.memory_space<vmem>>, vector<16xi32>,
    %shift_right_arithmetic3A_303 = arith.constant 7 : i32
    %shift_right_arithmetic3A_304 = vector.broadcast %shift_right_arithmetic3A_303 : i32 to vector<16xi32>
    %shift_right_arithmetic3A_305 = arith.shrsi %get3A_302, %shift_right_arithmetic3A_304 : vector<16xi32>
    %swap3A_306 = arith.constant 3 : i32
    %swap3A_307 = arith.index_cast %swap3A_306 : i32 to index
    %swap3A_308 = arith.constant 48 : index
    %swap3A_309 = tpu.vector_load %arg6[%swap3A_307, %swap3A_308] {strides = array<i32>} : memref<4x128xi32, #tpu.memory_space<vmem>>, vector<16xi32>,
    tpu.vector_store %arg6[%swap3A_307, %swap3A_308], %shift_right_arithmetic3A_305 {strides = array<i32>} : memref<4x128xi32, #tpu.memory_space<vmem>>, vector<16xi32>,
    %get3A_310 = arith.constant 3 : i32
    %get3A_311 = arith.index_cast %get3A_310 : i32 to index
    %get3A_312 = arith.constant 64 : index
    %get3A_313 = tpu.vector_load %arg5[%get3A_311, %get3A_312] {strides = array<i32>} : memref<4x128xi32, #tpu.memory_space<vmem>>, vector<16xi32>,
    %shift_right_arithmetic3A_314 = arith.constant 7 : i32
    %shift_right_arithmetic3A_315 = vector.broadcast %shift_right_arithmetic3A_314 : i32 to vector<16xi32>
    %shift_right_arithmetic3A_316 = arith.shrsi %get3A_313, %shift_right_arithmetic3A_315 : vector<16xi32>
    %swap3A_317 = arith.constant 3 : i32
    %swap3A_318 = arith.index_cast %swap3A_317 : i32 to index
    %swap3A_319 = arith.constant 64 : index
    %swap3A_320 = tpu.vector_load %arg6[%swap3A_318, %swap3A_319] {strides = array<i32>} : memref<4x128xi32, #tpu.memory_space<vmem>>, vector<16xi32>,
    tpu.vector_store %arg6[%swap3A_318, %swap3A_319], %shift_right_arithmetic3A_316 {strides = array<i32>} : memref<4x128xi32, #tpu.memory_space<vmem>>, vector<16xi32>,
    %get3A_321 = arith.constant 3 : i32
    %get3A_322 = arith.index_cast %get3A_321 : i32 to index
    %get3A_323 = arith.constant 80 : index
    %get3A_324 = tpu.vector_load %arg5[%get3A_322, %get3A_323] {strides = array<i32>} : memref<4x128xi32, #tpu.memory_space<vmem>>, vector<16xi32>,
    %shift_right_arithmetic3A_325 = arith.constant 7 : i32
    %shift_right_arithmetic3A_326 = vector.broadcast %shift_right_arithmetic3A_325 : i32 to vector<16xi32>
    %shift_right_arithmetic3A_327 = arith.shrsi %get3A_324, %shift_right_arithmetic3A_326 : vector<16xi32>
    %swap3A_328 = arith.constant 3 : i32
    %swap3A_329 = arith.index_cast %swap3A_328 : i32 to index
    %swap3A_330 = arith.constant 80 : index
    %swap3A_331 = tpu.vector_load %arg6[%swap3A_329, %swap3A_330] {strides = array<i32>} : memref<4x128xi32, #tpu.memory_space<vmem>>, vector<16xi32>,
    tpu.vector_store %arg6[%swap3A_329, %swap3A_330], %shift_right_arithmetic3A_327 {strides = array<i32>} : memref<4x128xi32, #tpu.memory_space<vmem>>, vector<16xi32>,
    %get3A_332 = arith.constant 3 : i32
    %get3A_333 = arith.index_cast %get3A_332 : i32 to index
    %get3A_334 = arith.constant 96 : index
    %get3A_335 = tpu.vector_load %arg5[%get3A_333, %get3A_334] {strides = array<i32>} : memref<4x128xi32, #tpu.memory_space<vmem>>, vector<16xi32>,
    %shift_right_arithmetic3A_336 = arith.constant 7 : i32
    %shift_right_arithmetic3A_337 = vector.broadcast %shift_right_arithmetic3A_336 : i32 to vector<16xi32>
    %shift_right_arithmetic3A_338 = arith.shrsi %get3A_335, %shift_right_arithmetic3A_337 : vector<16xi32>
    %swap3A_339 = arith.constant 3 : i32
    %swap3A_340 = arith.index_cast %swap3A_339 : i32 to index
    %swap3A_341 = arith.constant 96 : index
    %swap3A_342 = tpu.vector_load %arg6[%swap3A_340, %swap3A_341] {strides = array<i32>} : memref<4x128xi32, #tpu.memory_space<vmem>>, vector<16xi32>,
    tpu.vector_store %arg6[%swap3A_340, %swap3A_341], %shift_right_arithmetic3A_338 {strides = array<i32>} : memref<4x128xi32, #tpu.memory_space<vmem>>, vector<16xi32>,
    %get3A_343 = arith.constant 3 : i32
    %get3A_344 = arith.index_cast %get3A_343 : i32 to index
    %get3A_345 = arith.constant 112 : index
    %get3A_346 = tpu.vector_load %arg5[%get3A_344, %get3A_345] {strides = array<i32>} : memref<4x128xi32, #tpu.memory_space<vmem>>, vector<16xi32>,
    %shift_right_arithmetic3A_347 = arith.constant 7 : i32
    %shift_right_arithmetic3A_348 = vector.broadcast %shift_right_arithmetic3A_347 : i32 to vector<16xi32>
    %shift_right_arithmetic3A_349 = arith.shrsi %get3A_346, %shift_right_arithmetic3A_348 : vector<16xi32>
    %swap3A_350 = arith.constant 3 : i32
    %swap3A_351 = arith.index_cast %swap3A_350 : i32 to index
    %swap3A_352 = arith.constant 112 : index
    %swap3A_353 = tpu.vector_load %arg6[%swap3A_351, %swap3A_352] {strides = array<i32>} : memref<4x128xi32, #tpu.memory_space<vmem>>, vector<16xi32>,
    tpu.vector_store %arg6[%swap3A_351, %swap3A_352], %shift_right_arithmetic3A_349 {strides = array<i32>} : memref<4x128xi32, #tpu.memory_space<vmem>>, vector<16xi32>,
    %dma_start3A = arith.constant 0 : i32
    %dma_start3A_354 = arith.constant 0 : i32
    %dma_start3A_355 = arith.constant 0 : i32
    %dma_start3A_356 = arith.constant 0 : i32
    %dma_start3A_357 = arith.constant 0 : i32
    %dma_start3A_358 = tpu.memref_slice %arg7[%dma_start3A_354, %dma_start3A_355, %dma_start3A_356, %dma_start3A_357] : memref<2x128x2x128xf32, #tpu.memory_space<vmem>> -> memref<1x128x2x128xf32, #tpu.memory_space<vmem>>
    %dma_start3A_359 = tpu.memref_squeeze %dma_start3A_358 : memref<1x128x2x128xf32, #tpu.memory_space<vmem>> -> memref<128x2x128xf32, #tpu.memory_space<vmem>>
    %dma_start3A_360 = arith.constant 0 : i32
    %dma_start3A_361 = tpu.memref_slice %arg6[%dma_start3A, %dma_start3A_360] : memref<4x128xi32, #tpu.memory_space<vmem>> -> memref<1x128xi32, #tpu.memory_space<vmem>>
    %dma_start3A_362 = tpu.memref_squeeze %dma_start3A_361 : memref<1x128xi32, #tpu.memory_space<vmem>> -> memref<128xi32, #tpu.memory_space<vmem>>
    %dma_start3A_363 = arith.constant 0 : i32
    %dma_start3A_364 = arith.constant 0 : i32
    %dma_start3A_365 = arith.constant 0 : i32
    %dma_start3A_366 = tpu.memref_slice %arg3[%dma_start3A_363, %dma_start3A_364, %dma_start3A_365] : memref<7936x2x128xf32, #tpu.memory_space<hbm>> -> memref<7936x2x128xf32, #tpu.memory_space<hbm>>
    tpu.enqueue_indirect_dma source(%dma_start3A_366 : memref<7936x2x128xf32, #tpu.memory_space<hbm>>) target(%dma_start3A_359 : memref<128x2x128xf32, #tpu.memory_space<vmem>>) offsets(%dma_start3A_362 : memref<128xi32, #tpu.memory_space<vmem>>) semaphore(%arg9 : memref<!tpu.dma_semaphore, #tpu.memory_space<semaphore_mem>>)
    %dma_start3A_367 = arith.constant 1 : i32
    %dma_start3A_368 = arith.constant 1 : i32
    %dma_start3A_369 = arith.constant 0 : i32
    %dma_start3A_370 = arith.constant 0 : i32
    %dma_start3A_371 = arith.constant 0 : i32
    %dma_start3A_372 = tpu.memref_slice %arg7[%dma_start3A_368, %dma_start3A_369, %dma_start3A_370, %dma_start3A_371] : memref<2x128x2x128xf32, #tpu.memory_space<vmem>> -> memref<1x128x2x128xf32, #tpu.memory_space<vmem>>
    %dma_start3A_373 = tpu.memref_squeeze %dma_start3A_372 : memref<1x128x2x128xf32, #tpu.memory_space<vmem>> -> memref<128x2x128xf32, #tpu.memory_space<vmem>>
    %dma_start3A_374 = arith.constant 0 : i32
    %dma_start3A_375 = tpu.memref_slice %arg6[%dma_start3A_367, %dma_start3A_374] : memref<4x128xi32, #tpu.memory_space<vmem>> -> memref<1x128xi32, #tpu.memory_space<vmem>>
    %dma_start3A_376 = tpu.memref_squeeze %dma_start3A_375 : memref<1x128xi32, #tpu.memory_space<vmem>> -> memref<128xi32, #tpu.memory_space<vmem>>
    %dma_start3A_377 = arith.constant 0 : i32
    %dma_start3A_378 = arith.constant 0 : i32
    %dma_start3A_379 = arith.constant 0 : i32
    %dma_start3A_380 = tpu.memref_slice %arg3[%dma_start3A_377, %dma_start3A_378, %dma_start3A_379] : memref<7936x2x128xf32, #tpu.memory_space<hbm>> -> memref<7936x2x128xf32, #tpu.memory_space<hbm>>
    tpu.enqueue_indirect_dma source(%dma_start3A_380 : memref<7936x2x128xf32, #tpu.memory_space<hbm>>) target(%dma_start3A_373 : memref<128x2x128xf32, #tpu.memory_space<vmem>>) offsets(%dma_start3A_376 : memref<128xi32, #tpu.memory_space<vmem>>) semaphore(%arg10 : memref<!tpu.dma_semaphore, #tpu.memory_space<semaphore_mem>>)
    %dma_wait3A = arith.constant 0 : i32
    %dma_wait3A_381 = arith.constant 0 : i32
    %dma_wait3A_382 = arith.constant 0 : i32
    %dma_wait3A_383 = arith.constant 0 : i32
    %dma_wait3A_384 = arith.constant 0 : i32
    %dma_wait3A_385 = tpu.memref_slice %arg7[%dma_wait3A_381, %dma_wait3A_382, %dma_wait3A_383, %dma_wait3A_384] : memref<2x128x2x128xf32, #tpu.memory_space<vmem>> -> memref<1x128x2x128xf32, #tpu.memory_space<vmem>>
    %dma_wait3A_386 = tpu.memref_squeeze %dma_wait3A_385 : memref<1x128x2x128xf32, #tpu.memory_space<vmem>> -> memref<128x2x128xf32, #tpu.memory_space<vmem>>
    %dma_wait3A_387 = arith.constant 0 : i32
    %dma_wait3A_388 = tpu.memref_slice %arg6[%dma_wait3A, %dma_wait3A_387] : memref<4x128xi32, #tpu.memory_space<vmem>> -> memref<1x128xi32, #tpu.memory_space<vmem>>
    %dma_wait3A_389 = tpu.memref_squeeze %dma_wait3A_388 : memref<1x128xi32, #tpu.memory_space<vmem>> -> memref<128xi32, #tpu.memory_space<vmem>>
    %dma_wait3A_390 = arith.constant 0 : i32
    %dma_wait3A_391 = arith.constant 0 : i32
    %dma_wait3A_392 = arith.constant 0 : i32
    %dma_wait3A_393 = tpu.memref_slice %arg3[%dma_wait3A_390, %dma_wait3A_391, %dma_wait3A_392] : memref<7936x2x128xf32, #tpu.memory_space<hbm>> -> memref<7936x2x128xf32, #tpu.memory_space<hbm>>
    tpu.wait_indirect_dma semaphore(%arg9 : memref<!tpu.dma_semaphore, #tpu.memory_space<semaphore_mem>>) src(%dma_wait3A_393 : memref<7936x2x128xf32, #tpu.memory_space<hbm>>) dst(%dma_wait3A_386 : memref<128x2x128xf32, #tpu.memory_space<vmem>>)
    %get3A_394 = arith.constant 0 : i32
    %get3A_395 = arith.index_cast %get3A_394 : i32 to index
    %get3A_396 = arith.constant 0 : index
    %get3A_397 = tpu.vector_load %arg5[%get3A_395, %get3A_396] {strides = array<i32>} : memref<4x128xi32, #tpu.memory_space<vmem>>, vector<16xi32>,
    %and3A = arith.constant 127 : i32
    %and3A_398 = vector.broadcast %and3A : i32 to vector<16xi32>
    %and3A_399 = arith.andi %get3A_397, %and3A_398 : vector<16xi32>
    %add3A_400 = arith.constant 0 : i32
    %add3A_401 = vector.broadcast %add3A_400 : i32 to vector<16xi32>
    %add3A_402 = arith.addi %iota3A, %add3A_401 : vector<16xi32>
    %gather3A = arith.constant 0 : i32
    %gather3A_403 = arith.constant 0 : i32
    %gather3A_404 = arith.constant 0 : i32
    %gather3A_405 = arith.constant 0 : i32
    %gather3A_406 = tpu.memref_slice %arg7[%gather3A, %gather3A_403, %gather3A_404, %gather3A_405] : memref<2x128x2x128xf32, #tpu.memory_space<vmem>> -> memref<1x128x2x128xf32, #tpu.memory_space<vmem>>
    %gather3A_407 = tpu.memref_squeeze %gather3A_406 : memref<1x128x2x128xf32, #tpu.memory_space<vmem>> -> memref<128x2x128xf32, #tpu.memory_space<vmem>>
    %gather3A_408 = tpu.vector_load_idx %gather3A_407[%add3A_402, %broadcast_in_dim3A_1, %and3A_399] : memref<128x2x128xf32, #tpu.memory_space<vmem>>[vector<16xi32>, vector<16xi32>, vector<16xi32>], vector<16xf32>,
    %gather3A_409 = arith.constant 0 : i32
    %gather3A_410 = arith.constant 0 : i32
    %gather3A_411 = arith.constant 0 : i32
    %gather3A_412 = arith.constant 0 : i32
    %gather3A_413 = tpu.memref_slice %arg7[%gather3A_409, %gather3A_410, %gather3A_411, %gather3A_412] : memref<2x128x2x128xf32, #tpu.memory_space<vmem>> -> memref<1x128x2x128xf32, #tpu.memory_space<vmem>>
    %gather3A_414 = tpu.memref_squeeze %gather3A_413 : memref<1x128x2x128xf32, #tpu.memory_space<vmem>> -> memref<128x2x128xf32, #tpu.memory_space<vmem>>
    %gather3A_415 = tpu.vector_load_idx %gather3A_414[%add3A_402, %add3A_4, %and3A_399] : memref<128x2x128xf32, #tpu.memory_space<vmem>>[vector<16xi32>, vector<16xi32>, vector<16xi32>], vector<16xf32>,
    %swap3A_416 = arith.constant 0 : i32
    %swap3A_417 = arith.constant 0 : i32
    %swap3A_418 = arith.index_cast %swap3A_416 : i32 to index
    %swap3A_419 = arith.index_cast %swap3A_417 : i32 to index
    %swap3A_420 = arith.constant 0 : index
    %swap3A_421 = tpu.vector_load %arg8[%swap3A_418, %swap3A_419, %swap3A_420] {strides = array<i32>} : memref<4x2x128xf32, #tpu.memory_space<vmem>>, vector<16xf32>,
    tpu.vector_store %arg8[%swap3A_418, %swap3A_419, %swap3A_420], %gather3A_408 {strides = array<i32>} : memref<4x2x128xf32, #tpu.memory_space<vmem>>, vector<16xf32>,
    %swap3A_422 = arith.constant 0 : i32
    %swap3A_423 = arith.constant 1 : i32
    %swap3A_424 = arith.index_cast %swap3A_422 : i32 to index
    %swap3A_425 = arith.index_cast %swap3A_423 : i32 to index
    %swap3A_426 = arith.constant 0 : index
    %swap3A_427 = tpu.vector_load %arg8[%swap3A_424, %swap3A_425, %swap3A_426] {strides = array<i32>} : memref<4x2x128xf32, #tpu.memory_space<vmem>>, vector<16xf32>,
    tpu.vector_store %arg8[%swap3A_424, %swap3A_425, %swap3A_426], %gather3A_415 {strides = array<i32>} : memref<4x2x128xf32, #tpu.memory_space<vmem>>, vector<16xf32>,
    %get3A_428 = arith.constant 0 : i32
    %get3A_429 = arith.index_cast %get3A_428 : i32 to index
    %get3A_430 = arith.constant 16 : index
    %get3A_431 = tpu.vector_load %arg5[%get3A_429, %get3A_430] {strides = array<i32>} : memref<4x128xi32, #tpu.memory_space<vmem>>, vector<16xi32>,
    %and3A_432 = arith.constant 127 : i32
    %and3A_433 = vector.broadcast %and3A_432 : i32 to vector<16xi32>
    %and3A_434 = arith.andi %get3A_431, %and3A_433 : vector<16xi32>
    %add3A_435 = arith.constant 16 : i32
    %add3A_436 = vector.broadcast %add3A_435 : i32 to vector<16xi32>
    %add3A_437 = arith.addi %iota3A, %add3A_436 : vector<16xi32>
    %gather3A_438 = arith.constant 0 : i32
    %gather3A_439 = arith.constant 0 : i32
    %gather3A_440 = arith.constant 0 : i32
    %gather3A_441 = arith.constant 0 : i32
    %gather3A_442 = tpu.memref_slice %arg7[%gather3A_438, %gather3A_439, %gather3A_440, %gather3A_441] : memref<2x128x2x128xf32, #tpu.memory_space<vmem>> -> memref<1x128x2x128xf32, #tpu.memory_space<vmem>>
    %gather3A_443 = tpu.memref_squeeze %gather3A_442 : memref<1x128x2x128xf32, #tpu.memory_space<vmem>> -> memref<128x2x128xf32, #tpu.memory_space<vmem>>
    %gather3A_444 = tpu.vector_load_idx %gather3A_443[%add3A_437, %broadcast_in_dim3A_1, %and3A_434] : memref<128x2x128xf32, #tpu.memory_space<vmem>>[vector<16xi32>, vector<16xi32>, vector<16xi32>], vector<16xf32>,
    %gather3A_445 = arith.constant 0 : i32
    %gather3A_446 = arith.constant 0 : i32
    %gather3A_447 = arith.constant 0 : i32
    %gather3A_448 = arith.constant 0 : i32
    %gather3A_449 = tpu.memref_slice %arg7[%gather3A_445, %gather3A_446, %gather3A_447, %gather3A_448] : memref<2x128x2x128xf32, #tpu.memory_space<vmem>> -> memref<1x128x2x128xf32, #tpu.memory_space<vmem>>
    %gather3A_450 = tpu.memref_squeeze %gather3A_449 : memref<1x128x2x128xf32, #tpu.memory_space<vmem>> -> memref<128x2x128xf32, #tpu.memory_space<vmem>>
    %gather3A_451 = tpu.vector_load_idx %gather3A_450[%add3A_437, %add3A_4, %and3A_434] : memref<128x2x128xf32, #tpu.memory_space<vmem>>[vector<16xi32>, vector<16xi32>, vector<16xi32>], vector<16xf32>,
    %swap3A_452 = arith.constant 0 : i32
    %swap3A_453 = arith.constant 0 : i32
    %swap3A_454 = arith.index_cast %swap3A_452 : i32 to index
    %swap3A_455 = arith.index_cast %swap3A_453 : i32 to index
    %swap3A_456 = arith.constant 16 : index
    %swap3A_457 = tpu.vector_load %arg8[%swap3A_454, %swap3A_455, %swap3A_456] {strides = array<i32>} : memref<4x2x128xf32, #tpu.memory_space<vmem>>, vector<16xf32>,
    tpu.vector_store %arg8[%swap3A_454, %swap3A_455, %swap3A_456], %gather3A_444 {strides = array<i32>} : memref<4x2x128xf32, #tpu.memory_space<vmem>>, vector<16xf32>,
    %swap3A_458 = arith.constant 0 : i32
    %swap3A_459 = arith.constant 1 : i32
    %swap3A_460 = arith.index_cast %swap3A_458 : i32 to index
    %swap3A_461 = arith.index_cast %swap3A_459 : i32 to index
    %swap3A_462 = arith.constant 16 : index
    %swap3A_463 = tpu.vector_load %arg8[%swap3A_460, %swap3A_461, %swap3A_462] {strides = array<i32>} : memref<4x2x128xf32, #tpu.memory_space<vmem>>, vector<16xf32>,
    tpu.vector_store %arg8[%swap3A_460, %swap3A_461, %swap3A_462], %gather3A_451 {strides = array<i32>} : memref<4x2x128xf32, #tpu.memory_space<vmem>>, vector<16xf32>,
    %get3A_464 = arith.constant 0 : i32
    %get3A_465 = arith.index_cast %get3A_464 : i32 to index
    %get3A_466 = arith.constant 32 : index
    %get3A_467 = tpu.vector_load %arg5[%get3A_465, %get3A_466] {strides = array<i32>} : memref<4x128xi32, #tpu.memory_space<vmem>>, vector<16xi32>,
    %and3A_468 = arith.constant 127 : i32
    %and3A_469 = vector.broadcast %and3A_468 : i32 to vector<16xi32>
    %and3A_470 = arith.andi %get3A_467, %and3A_469 : vector<16xi32>
    %add3A_471 = arith.constant 32 : i32
    %add3A_472 = vector.broadcast %add3A_471 : i32 to vector<16xi32>
    %add3A_473 = arith.addi %iota3A, %add3A_472 : vector<16xi32>
    %gather3A_474 = arith.constant 0 : i32
    %gather3A_475 = arith.constant 0 : i32
    %gather3A_476 = arith.constant 0 : i32
    %gather3A_477 = arith.constant 0 : i32
    %gather3A_478 = tpu.memref_slice %arg7[%gather3A_474, %gather3A_475, %gather3A_476, %gather3A_477] : memref<2x128x2x128xf32, #tpu.memory_space<vmem>> -> memref<1x128x2x128xf32, #tpu.memory_space<vmem>>
    %gather3A_479 = tpu.memref_squeeze %gather3A_478 : memref<1x128x2x128xf32, #tpu.memory_space<vmem>> -> memref<128x2x128xf32, #tpu.memory_space<vmem>>
    %gather3A_480 = tpu.vector_load_idx %gather3A_479[%add3A_473, %broadcast_in_dim3A_1, %and3A_470] : memref<128x2x128xf32, #tpu.memory_space<vmem>>[vector<16xi32>, vector<16xi32>, vector<16xi32>], vector<16xf32>,
    %gather3A_481 = arith.constant 0 : i32
    %gather3A_482 = arith.constant 0 : i32
    %gather3A_483 = arith.constant 0 : i32
    %gather3A_484 = arith.constant 0 : i32
    %gather3A_485 = tpu.memref_slice %arg7[%gather3A_481, %gather3A_482, %gather3A_483, %gather3A_484] : memref<2x128x2x128xf32, #tpu.memory_space<vmem>> -> memref<1x128x2x128xf32, #tpu.memory_space<vmem>>
    %gather3A_486 = tpu.memref_squeeze %gather3A_485 : memref<1x128x2x128xf32, #tpu.memory_space<vmem>> -> memref<128x2x128xf32, #tpu.memory_space<vmem>>
    %gather3A_487 = tpu.vector_load_idx %gather3A_486[%add3A_473, %add3A_4, %and3A_470] : memref<128x2x128xf32, #tpu.memory_space<vmem>>[vector<16xi32>, vector<16xi32>, vector<16xi32>], vector<16xf32>,
    %swap3A_488 = arith.constant 0 : i32
    %swap3A_489 = arith.constant 0 : i32
    %swap3A_490 = arith.index_cast %swap3A_488 : i32 to index
    %swap3A_491 = arith.index_cast %swap3A_489 : i32 to index
    %swap3A_492 = arith.constant 32 : index
    %swap3A_493 = tpu.vector_load %arg8[%swap3A_490, %swap3A_491, %swap3A_492] {strides = array<i32>} : memref<4x2x128xf32, #tpu.memory_space<vmem>>, vector<16xf32>,
    tpu.vector_store %arg8[%swap3A_490, %swap3A_491, %swap3A_492], %gather3A_480 {strides = array<i32>} : memref<4x2x128xf32, #tpu.memory_space<vmem>>, vector<16xf32>,
    %swap3A_494 = arith.constant 0 : i32
    %swap3A_495 = arith.constant 1 : i32
    %swap3A_496 = arith.index_cast %swap3A_494 : i32 to index
    %swap3A_497 = arith.index_cast %swap3A_495 : i32 to index
    %swap3A_498 = arith.constant 32 : index
    %swap3A_499 = tpu.vector_load %arg8[%swap3A_496, %swap3A_497, %swap3A_498] {strides = array<i32>} : memref<4x2x128xf32, #tpu.memory_space<vmem>>, vector<16xf32>,
    tpu.vector_store %arg8[%swap3A_496, %swap3A_497, %swap3A_498], %gather3A_487 {strides = array<i32>} : memref<4x2x128xf32, #tpu.memory_space<vmem>>, vector<16xf32>,
    %get3A_500 = arith.constant 0 : i32
    %get3A_501 = arith.index_cast %get3A_500 : i32 to index
    %get3A_502 = arith.constant 48 : index
    %get3A_503 = tpu.vector_load %arg5[%get3A_501, %get3A_502] {strides = array<i32>} : memref<4x128xi32, #tpu.memory_space<vmem>>, vector<16xi32>,
    %and3A_504 = arith.constant 127 : i32
    %and3A_505 = vector.broadcast %and3A_504 : i32 to vector<16xi32>
    %and3A_506 = arith.andi %get3A_503, %and3A_505 : vector<16xi32>
    %add3A_507 = arith.constant 48 : i32
    %add3A_508 = vector.broadcast %add3A_507 : i32 to vector<16xi32>
    %add3A_509 = arith.addi %iota3A, %add3A_508 : vector<16xi32>
    %gather3A_510 = arith.constant 0 : i32
    %gather3A_511 = arith.constant 0 : i32
    %gather3A_512 = arith.constant 0 : i32
    %gather3A_513 = arith.constant 0 : i32
    %gather3A_514 = tpu.memref_slice %arg7[%gather3A_510, %gather3A_511, %gather3A_512, %gather3A_513] : memref<2x128x2x128xf32, #tpu.memory_space<vmem>> -> memref<1x128x2x128xf32, #tpu.memory_space<vmem>>
    %gather3A_515 = tpu.memref_squeeze %gather3A_514 : memref<1x128x2x128xf32, #tpu.memory_space<vmem>> -> memref<128x2x128xf32, #tpu.memory_space<vmem>>
    %gather3A_516 = tpu.vector_load_idx %gather3A_515[%add3A_509, %broadcast_in_dim3A_1, %and3A_506] : memref<128x2x128xf32, #tpu.memory_space<vmem>>[vector<16xi32>, vector<16xi32>, vector<16xi32>], vector<16xf32>,
    %gather3A_517 = arith.constant 0 : i32
    %gather3A_518 = arith.constant 0 : i32
    %gather3A_519 = arith.constant 0 : i32
    %gather3A_520 = arith.constant 0 : i32
    %gather3A_521 = tpu.memref_slice %arg7[%gather3A_517, %gather3A_518, %gather3A_519, %gather3A_520] : memref<2x128x2x128xf32, #tpu.memory_space<vmem>> -> memref<1x128x2x128xf32, #tpu.memory_space<vmem>>
    %gather3A_522 = tpu.memref_squeeze %gather3A_521 : memref<1x128x2x128xf32, #tpu.memory_space<vmem>> -> memref<128x2x128xf32, #tpu.memory_space<vmem>>
    %gather3A_523 = tpu.vector_load_idx %gather3A_522[%add3A_509, %add3A_4, %and3A_506] : memref<128x2x128xf32, #tpu.memory_space<vmem>>[vector<16xi32>, vector<16xi32>, vector<16xi32>], vector<16xf32>,
    %swap3A_524 = arith.constant 0 : i32
    %swap3A_525 = arith.constant 0 : i32
    %swap3A_526 = arith.index_cast %swap3A_524 : i32 to index
    %swap3A_527 = arith.index_cast %swap3A_525 : i32 to index
    %swap3A_528 = arith.constant 48 : index
    %swap3A_529 = tpu.vector_load %arg8[%swap3A_526, %swap3A_527, %swap3A_528] {strides = array<i32>} : memref<4x2x128xf32, #tpu.memory_space<vmem>>, vector<16xf32>,
    tpu.vector_store %arg8[%swap3A_526, %swap3A_527, %swap3A_528], %gather3A_516 {strides = array<i32>} : memref<4x2x128xf32, #tpu.memory_space<vmem>>, vector<16xf32>,
    %swap3A_530 = arith.constant 0 : i32
    %swap3A_531 = arith.constant 1 : i32
    %swap3A_532 = arith.index_cast %swap3A_530 : i32 to index
    %swap3A_533 = arith.index_cast %swap3A_531 : i32 to index
    %swap3A_534 = arith.constant 48 : index
    %swap3A_535 = tpu.vector_load %arg8[%swap3A_532, %swap3A_533, %swap3A_534] {strides = array<i32>} : memref<4x2x128xf32, #tpu.memory_space<vmem>>, vector<16xf32>,
    tpu.vector_store %arg8[%swap3A_532, %swap3A_533, %swap3A_534], %gather3A_523 {strides = array<i32>} : memref<4x2x128xf32, #tpu.memory_space<vmem>>, vector<16xf32>,
    %get3A_536 = arith.constant 0 : i32
    %get3A_537 = arith.index_cast %get3A_536 : i32 to index
    %get3A_538 = arith.constant 64 : index
    %get3A_539 = tpu.vector_load %arg5[%get3A_537, %get3A_538] {strides = array<i32>} : memref<4x128xi32, #tpu.memory_space<vmem>>, vector<16xi32>,
    %and3A_540 = arith.constant 127 : i32
    %and3A_541 = vector.broadcast %and3A_540 : i32 to vector<16xi32>
    %and3A_542 = arith.andi %get3A_539, %and3A_541 : vector<16xi32>
    %add3A_543 = arith.constant 64 : i32
    %add3A_544 = vector.broadcast %add3A_543 : i32 to vector<16xi32>
    %add3A_545 = arith.addi %iota3A, %add3A_544 : vector<16xi32>
    %gather3A_546 = arith.constant 0 : i32
    %gather3A_547 = arith.constant 0 : i32
    %gather3A_548 = arith.constant 0 : i32
    %gather3A_549 = arith.constant 0 : i32
    %gather3A_550 = tpu.memref_slice %arg7[%gather3A_546, %gather3A_547, %gather3A_548, %gather3A_549] : memref<2x128x2x128xf32, #tpu.memory_space<vmem>> -> memref<1x128x2x128xf32, #tpu.memory_space<vmem>>
    %gather3A_551 = tpu.memref_squeeze %gather3A_550 : memref<1x128x2x128xf32, #tpu.memory_space<vmem>> -> memref<128x2x128xf32, #tpu.memory_space<vmem>>
    %gather3A_552 = tpu.vector_load_idx %gather3A_551[%add3A_545, %broadcast_in_dim3A_1, %and3A_542] : memref<128x2x128xf32, #tpu.memory_space<vmem>>[vector<16xi32>, vector<16xi32>, vector<16xi32>], vector<16xf32>,
    %gather3A_553 = arith.constant 0 : i32
    %gather3A_554 = arith.constant 0 : i32
    %gather3A_555 = arith.constant 0 : i32
    %gather3A_556 = arith.constant 0 : i32
    %gather3A_557 = tpu.memref_slice %arg7[%gather3A_553, %gather3A_554, %gather3A_555, %gather3A_556] : memref<2x128x2x128xf32, #tpu.memory_space<vmem>> -> memref<1x128x2x128xf32, #tpu.memory_space<vmem>>
    %gather3A_558 = tpu.memref_squeeze %gather3A_557 : memref<1x128x2x128xf32, #tpu.memory_space<vmem>> -> memref<128x2x128xf32, #tpu.memory_space<vmem>>
    %gather3A_559 = tpu.vector_load_idx %gather3A_558[%add3A_545, %add3A_4, %and3A_542] : memref<128x2x128xf32, #tpu.memory_space<vmem>>[vector<16xi32>, vector<16xi32>, vector<16xi32>], vector<16xf32>,
    %swap3A_560 = arith.constant 0 : i32
    %swap3A_561 = arith.constant 0 : i32
    %swap3A_562 = arith.index_cast %swap3A_560 : i32 to index
    %swap3A_563 = arith.index_cast %swap3A_561 : i32 to index
    %swap3A_564 = arith.constant 64 : index
    %swap3A_565 = tpu.vector_load %arg8[%swap3A_562, %swap3A_563, %swap3A_564] {strides = array<i32>} : memref<4x2x128xf32, #tpu.memory_space<vmem>>, vector<16xf32>,
    tpu.vector_store %arg8[%swap3A_562, %swap3A_563, %swap3A_564], %gather3A_552 {strides = array<i32>} : memref<4x2x128xf32, #tpu.memory_space<vmem>>, vector<16xf32>,
    %swap3A_566 = arith.constant 0 : i32
    %swap3A_567 = arith.constant 1 : i32
    %swap3A_568 = arith.index_cast %swap3A_566 : i32 to index
    %swap3A_569 = arith.index_cast %swap3A_567 : i32 to index
    %swap3A_570 = arith.constant 64 : index
    %swap3A_571 = tpu.vector_load %arg8[%swap3A_568, %swap3A_569, %swap3A_570] {strides = array<i32>} : memref<4x2x128xf32, #tpu.memory_space<vmem>>, vector<16xf32>,
    tpu.vector_store %arg8[%swap3A_568, %swap3A_569, %swap3A_570], %gather3A_559 {strides = array<i32>} : memref<4x2x128xf32, #tpu.memory_space<vmem>>, vector<16xf32>,
    %get3A_572 = arith.constant 0 : i32
    %get3A_573 = arith.index_cast %get3A_572 : i32 to index
    %get3A_574 = arith.constant 80 : index
    %get3A_575 = tpu.vector_load %arg5[%get3A_573, %get3A_574] {strides = array<i32>} : memref<4x128xi32, #tpu.memory_space<vmem>>, vector<16xi32>,
    %and3A_576 = arith.constant 127 : i32
    %and3A_577 = vector.broadcast %and3A_576 : i32 to vector<16xi32>
    %and3A_578 = arith.andi %get3A_575, %and3A_577 : vector<16xi32>
    %add3A_579 = arith.constant 80 : i32
    %add3A_580 = vector.broadcast %add3A_579 : i32 to vector<16xi32>
    %add3A_581 = arith.addi %iota3A, %add3A_580 : vector<16xi32>
    %gather3A_582 = arith.constant 0 : i32
    %gather3A_583 = arith.constant 0 : i32
    %gather3A_584 = arith.constant 0 : i32
    %gather3A_585 = arith.constant 0 : i32
    %gather3A_586 = tpu.memref_slice %arg7[%gather3A_582, %gather3A_583, %gather3A_584, %gather3A_585] : memref<2x128x2x128xf32, #tpu.memory_space<vmem>> -> memref<1x128x2x128xf32, #tpu.memory_space<vmem>>
    %gather3A_587 = tpu.memref_squeeze %gather3A_586 : memref<1x128x2x128xf32, #tpu.memory_space<vmem>> -> memref<128x2x128xf32, #tpu.memory_space<vmem>>
    %gather3A_588 = tpu.vector_load_idx %gather3A_587[%add3A_581, %broadcast_in_dim3A_1, %and3A_578] : memref<128x2x128xf32, #tpu.memory_space<vmem>>[vector<16xi32>, vector<16xi32>, vector<16xi32>], vector<16xf32>,
    %gather3A_589 = arith.constant 0 : i32
    %gather3A_590 = arith.constant 0 : i32
    %gather3A_591 = arith.constant 0 : i32
    %gather3A_592 = arith.constant 0 : i32
    %gather3A_593 = tpu.memref_slice %arg7[%gather3A_589, %gather3A_590, %gather3A_591, %gather3A_592] : memref<2x128x2x128xf32, #tpu.memory_space<vmem>> -> memref<1x128x2x128xf32, #tpu.memory_space<vmem>>
    %gather3A_594 = tpu.memref_squeeze %gather3A_593 : memref<1x128x2x128xf32, #tpu.memory_space<vmem>> -> memref<128x2x128xf32, #tpu.memory_space<vmem>>
    %gather3A_595 = tpu.vector_load_idx %gather3A_594[%add3A_581, %add3A_4, %and3A_578] : memref<128x2x128xf32, #tpu.memory_space<vmem>>[vector<16xi32>, vector<16xi32>, vector<16xi32>], vector<16xf32>,
    %swap3A_596 = arith.constant 0 : i32
    %swap3A_597 = arith.constant 0 : i32
    %swap3A_598 = arith.index_cast %swap3A_596 : i32 to index
    %swap3A_599 = arith.index_cast %swap3A_597 : i32 to index
    %swap3A_600 = arith.constant 80 : index
    %swap3A_601 = tpu.vector_load %arg8[%swap3A_598, %swap3A_599, %swap3A_600] {strides = array<i32>} : memref<4x2x128xf32, #tpu.memory_space<vmem>>, vector<16xf32>,
    tpu.vector_store %arg8[%swap3A_598, %swap3A_599, %swap3A_600], %gather3A_588 {strides = array<i32>} : memref<4x2x128xf32, #tpu.memory_space<vmem>>, vector<16xf32>,
    %swap3A_602 = arith.constant 0 : i32
    %swap3A_603 = arith.constant 1 : i32
    %swap3A_604 = arith.index_cast %swap3A_602 : i32 to index
    %swap3A_605 = arith.index_cast %swap3A_603 : i32 to index
    %swap3A_606 = arith.constant 80 : index
    %swap3A_607 = tpu.vector_load %arg8[%swap3A_604, %swap3A_605, %swap3A_606] {strides = array<i32>} : memref<4x2x128xf32, #tpu.memory_space<vmem>>, vector<16xf32>,
    tpu.vector_store %arg8[%swap3A_604, %swap3A_605, %swap3A_606], %gather3A_595 {strides = array<i32>} : memref<4x2x128xf32, #tpu.memory_space<vmem>>, vector<16xf32>,
    %get3A_608 = arith.constant 0 : i32
    %get3A_609 = arith.index_cast %get3A_608 : i32 to index
    %get3A_610 = arith.constant 96 : index
    %get3A_611 = tpu.vector_load %arg5[%get3A_609, %get3A_610] {strides = array<i32>} : memref<4x128xi32, #tpu.memory_space<vmem>>, vector<16xi32>,
    %and3A_612 = arith.constant 127 : i32
    %and3A_613 = vector.broadcast %and3A_612 : i32 to vector<16xi32>
    %and3A_614 = arith.andi %get3A_611, %and3A_613 : vector<16xi32>
    %add3A_615 = arith.constant 96 : i32
    %add3A_616 = vector.broadcast %add3A_615 : i32 to vector<16xi32>
    %add3A_617 = arith.addi %iota3A, %add3A_616 : vector<16xi32>
    %gather3A_618 = arith.constant 0 : i32
    %gather3A_619 = arith.constant 0 : i32
    %gather3A_620 = arith.constant 0 : i32
    %gather3A_621 = arith.constant 0 : i32
    %gather3A_622 = tpu.memref_slice %arg7[%gather3A_618, %gather3A_619, %gather3A_620, %gather3A_621] : memref<2x128x2x128xf32, #tpu.memory_space<vmem>> -> memref<1x128x2x128xf32, #tpu.memory_space<vmem>>
    %gather3A_623 = tpu.memref_squeeze %gather3A_622 : memref<1x128x2x128xf32, #tpu.memory_space<vmem>> -> memref<128x2x128xf32, #tpu.memory_space<vmem>>
    %gather3A_624 = tpu.vector_load_idx %gather3A_623[%add3A_617, %broadcast_in_dim3A_1, %and3A_614] : memref<128x2x128xf32, #tpu.memory_space<vmem>>[vector<16xi32>, vector<16xi32>, vector<16xi32>], vector<16xf32>,
    %gather3A_625 = arith.constant 0 : i32
    %gather3A_626 = arith.constant 0 : i32
    %gather3A_627 = arith.constant 0 : i32
    %gather3A_628 = arith.constant 0 : i32
    %gather3A_629 = tpu.memref_slice %arg7[%gather3A_625, %gather3A_626, %gather3A_627, %gather3A_628] : memref<2x128x2x128xf32, #tpu.memory_space<vmem>> -> memref<1x128x2x128xf32, #tpu.memory_space<vmem>>
    %gather3A_630 = tpu.memref_squeeze %gather3A_629 : memref<1x128x2x128xf32, #tpu.memory_space<vmem>> -> memref<128x2x128xf32, #tpu.memory_space<vmem>>
    %gather3A_631 = tpu.vector_load_idx %gather3A_630[%add3A_617, %add3A_4, %and3A_614] : memref<128x2x128xf32, #tpu.memory_space<vmem>>[vector<16xi32>, vector<16xi32>, vector<16xi32>], vector<16xf32>,
    %swap3A_632 = arith.constant 0 : i32
    %swap3A_633 = arith.constant 0 : i32
    %swap3A_634 = arith.index_cast %swap3A_632 : i32 to index
    %swap3A_635 = arith.index_cast %swap3A_633 : i32 to index
    %swap3A_636 = arith.constant 96 : index
    %swap3A_637 = tpu.vector_load %arg8[%swap3A_634, %swap3A_635, %swap3A_636] {strides = array<i32>} : memref<4x2x128xf32, #tpu.memory_space<vmem>>, vector<16xf32>,
    tpu.vector_store %arg8[%swap3A_634, %swap3A_635, %swap3A_636], %gather3A_624 {strides = array<i32>} : memref<4x2x128xf32, #tpu.memory_space<vmem>>, vector<16xf32>,
    %swap3A_638 = arith.constant 0 : i32
    %swap3A_639 = arith.constant 1 : i32
    %swap3A_640 = arith.index_cast %swap3A_638 : i32 to index
    %swap3A_641 = arith.index_cast %swap3A_639 : i32 to index
    %swap3A_642 = arith.constant 96 : index
    %swap3A_643 = tpu.vector_load %arg8[%swap3A_640, %swap3A_641, %swap3A_642] {strides = array<i32>} : memref<4x2x128xf32, #tpu.memory_space<vmem>>, vector<16xf32>,
    tpu.vector_store %arg8[%swap3A_640, %swap3A_641, %swap3A_642], %gather3A_631 {strides = array<i32>} : memref<4x2x128xf32, #tpu.memory_space<vmem>>, vector<16xf32>,
    %get3A_644 = arith.constant 0 : i32
    %get3A_645 = arith.index_cast %get3A_644 : i32 to index
    %get3A_646 = arith.constant 112 : index
    %get3A_647 = tpu.vector_load %arg5[%get3A_645, %get3A_646] {strides = array<i32>} : memref<4x128xi32, #tpu.memory_space<vmem>>, vector<16xi32>,
    %and3A_648 = arith.constant 127 : i32
    %and3A_649 = vector.broadcast %and3A_648 : i32 to vector<16xi32>
    %and3A_650 = arith.andi %get3A_647, %and3A_649 : vector<16xi32>
    %add3A_651 = arith.constant 112 : i32
    %add3A_652 = vector.broadcast %add3A_651 : i32 to vector<16xi32>
    %add3A_653 = arith.addi %iota3A, %add3A_652 : vector<16xi32>
    %gather3A_654 = arith.constant 0 : i32
    %gather3A_655 = arith.constant 0 : i32
    %gather3A_656 = arith.constant 0 : i32
    %gather3A_657 = arith.constant 0 : i32
    %gather3A_658 = tpu.memref_slice %arg7[%gather3A_654, %gather3A_655, %gather3A_656, %gather3A_657] : memref<2x128x2x128xf32, #tpu.memory_space<vmem>> -> memref<1x128x2x128xf32, #tpu.memory_space<vmem>>
    %gather3A_659 = tpu.memref_squeeze %gather3A_658 : memref<1x128x2x128xf32, #tpu.memory_space<vmem>> -> memref<128x2x128xf32, #tpu.memory_space<vmem>>
    %gather3A_660 = tpu.vector_load_idx %gather3A_659[%add3A_653, %broadcast_in_dim3A_1, %and3A_650] : memref<128x2x128xf32, #tpu.memory_space<vmem>>[vector<16xi32>, vector<16xi32>, vector<16xi32>], vector<16xf32>,
    %gather3A_661 = arith.constant 0 : i32
    %gather3A_662 = arith.constant 0 : i32
    %gather3A_663 = arith.constant 0 : i32
    %gather3A_664 = arith.constant 0 : i32
    %gather3A_665 = tpu.memref_slice %arg7[%gather3A_661, %gather3A_662, %gather3A_663, %gather3A_664] : memref<2x128x2x128xf32, #tpu.memory_space<vmem>> -> memref<1x128x2x128xf32, #tpu.memory_space<vmem>>
    %gather3A_666 = tpu.memref_squeeze %gather3A_665 : memref<1x128x2x128xf32, #tpu.memory_space<vmem>> -> memref<128x2x128xf32, #tpu.memory_space<vmem>>
    %gather3A_667 = tpu.vector_load_idx %gather3A_666[%add3A_653, %add3A_4, %and3A_650] : memref<128x2x128xf32, #tpu.memory_space<vmem>>[vector<16xi32>, vector<16xi32>, vector<16xi32>], vector<16xf32>,
    %swap3A_668 = arith.constant 0 : i32
    %swap3A_669 = arith.constant 0 : i32
    %swap3A_670 = arith.index_cast %swap3A_668 : i32 to index
    %swap3A_671 = arith.index_cast %swap3A_669 : i32 to index
    %swap3A_672 = arith.constant 112 : index
    %swap3A_673 = tpu.vector_load %arg8[%swap3A_670, %swap3A_671, %swap3A_672] {strides = array<i32>} : memref<4x2x128xf32, #tpu.memory_space<vmem>>, vector<16xf32>,
    tpu.vector_store %arg8[%swap3A_670, %swap3A_671, %swap3A_672], %gather3A_660 {strides = array<i32>} : memref<4x2x128xf32, #tpu.memory_space<vmem>>, vector<16xf32>,
    %swap3A_674 = arith.constant 0 : i32
    %swap3A_675 = arith.constant 1 : i32
    %swap3A_676 = arith.index_cast %swap3A_674 : i32 to index
    %swap3A_677 = arith.index_cast %swap3A_675 : i32 to index
    %swap3A_678 = arith.constant 112 : index
    %swap3A_679 = tpu.vector_load %arg8[%swap3A_676, %swap3A_677, %swap3A_678] {strides = array<i32>} : memref<4x2x128xf32, #tpu.memory_space<vmem>>, vector<16xf32>,
    tpu.vector_store %arg8[%swap3A_676, %swap3A_677, %swap3A_678], %gather3A_667 {strides = array<i32>} : memref<4x2x128xf32, #tpu.memory_space<vmem>>, vector<16xf32>,
    %dma_start3A_680 = arith.constant 2 : i32
    %dma_start3A_681 = arith.constant 0 : i32
    %dma_start3A_682 = arith.constant 0 : i32
    %dma_start3A_683 = arith.constant 0 : i32
    %dma_start3A_684 = arith.constant 0 : i32
    %dma_start3A_685 = tpu.memref_slice %arg7[%dma_start3A_681, %dma_start3A_682, %dma_start3A_683, %dma_start3A_684] : memref<2x128x2x128xf32, #tpu.memory_space<vmem>> -> memref<1x128x2x128xf32, #tpu.memory_space<vmem>>
    %dma_start3A_686 = tpu.memref_squeeze %dma_start3A_685 : memref<1x128x2x128xf32, #tpu.memory_space<vmem>> -> memref<128x2x128xf32, #tpu.memory_space<vmem>>
    %dma_start3A_687 = arith.constant 0 : i32
    %dma_start3A_688 = tpu.memref_slice %arg6[%dma_start3A_680, %dma_start3A_687] : memref<4x128xi32, #tpu.memory_space<vmem>> -> memref<1x128xi32, #tpu.memory_space<vmem>>
    %dma_start3A_689 = tpu.memref_squeeze %dma_start3A_688 : memref<1x128xi32, #tpu.memory_space<vmem>> -> memref<128xi32, #tpu.memory_space<vmem>>
    %dma_start3A_690 = arith.constant 0 : i32
    %dma_start3A_691 = arith.constant 0 : i32
    %dma_start3A_692 = arith.constant 0 : i32
    %dma_start3A_693 = tpu.memref_slice %arg3[%dma_start3A_690, %dma_start3A_691, %dma_start3A_692] : memref<7936x2x128xf32, #tpu.memory_space<hbm>> -> memref<7936x2x128xf32, #tpu.memory_space<hbm>>
    tpu.enqueue_indirect_dma source(%dma_start3A_693 : memref<7936x2x128xf32, #tpu.memory_space<hbm>>) target(%dma_start3A_686 : memref<128x2x128xf32, #tpu.memory_space<vmem>>) offsets(%dma_start3A_689 : memref<128xi32, #tpu.memory_space<vmem>>) semaphore(%arg9 : memref<!tpu.dma_semaphore, #tpu.memory_space<semaphore_mem>>)
    %dma_wait3A_694 = arith.constant 1 : i32
    %dma_wait3A_695 = arith.constant 1 : i32
    %dma_wait3A_696 = arith.constant 0 : i32
    %dma_wait3A_697 = arith.constant 0 : i32
    %dma_wait3A_698 = arith.constant 0 : i32
    %dma_wait3A_699 = tpu.memref_slice %arg7[%dma_wait3A_695, %dma_wait3A_696, %dma_wait3A_697, %dma_wait3A_698] : memref<2x128x2x128xf32, #tpu.memory_space<vmem>> -> memref<1x128x2x128xf32, #tpu.memory_space<vmem>>
    %dma_wait3A_700 = tpu.memref_squeeze %dma_wait3A_699 : memref<1x128x2x128xf32, #tpu.memory_space<vmem>> -> memref<128x2x128xf32, #tpu.memory_space<vmem>>
    %dma_wait3A_701 = arith.constant 0 : i32
    %dma_wait3A_702 = tpu.memref_slice %arg6[%dma_wait3A_694, %dma_wait3A_701] : memref<4x128xi32, #tpu.memory_space<vmem>> -> memref<1x128xi32, #tpu.memory_space<vmem>>
    %dma_wait3A_703 = tpu.memref_squeeze %dma_wait3A_702 : memref<1x128xi32, #tpu.memory_space<vmem>> -> memref<128xi32, #tpu.memory_space<vmem>>
    %dma_wait3A_704 = arith.constant 0 : i32
    %dma_wait3A_705 = arith.constant 0 : i32
    %dma_wait3A_706 = arith.constant 0 : i32
    %dma_wait3A_707 = tpu.memref_slice %arg3[%dma_wait3A_704, %dma_wait3A_705, %dma_wait3A_706] : memref<7936x2x128xf32, #tpu.memory_space<hbm>> -> memref<7936x2x128xf32, #tpu.memory_space<hbm>>
    tpu.wait_indirect_dma semaphore(%arg10 : memref<!tpu.dma_semaphore, #tpu.memory_space<semaphore_mem>>) src(%dma_wait3A_707 : memref<7936x2x128xf32, #tpu.memory_space<hbm>>) dst(%dma_wait3A_700 : memref<128x2x128xf32, #tpu.memory_space<vmem>>)
    %get3A_708 = arith.constant 1 : i32
    %get3A_709 = arith.index_cast %get3A_708 : i32 to index
    %get3A_710 = arith.constant 0 : index
    %get3A_711 = tpu.vector_load %arg5[%get3A_709, %get3A_710] {strides = array<i32>} : memref<4x128xi32, #tpu.memory_space<vmem>>, vector<16xi32>,
    %and3A_712 = arith.constant 127 : i32
    %and3A_713 = vector.broadcast %and3A_712 : i32 to vector<16xi32>
    %and3A_714 = arith.andi %get3A_711, %and3A_713 : vector<16xi32>
    %add3A_715 = arith.constant 0 : i32
    %add3A_716 = vector.broadcast %add3A_715 : i32 to vector<16xi32>
    %add3A_717 = arith.addi %iota3A, %add3A_716 : vector<16xi32>
    %gather3A_718 = arith.constant 1 : i32
    %gather3A_719 = arith.constant 0 : i32
    %gather3A_720 = arith.constant 0 : i32
    %gather3A_721 = arith.constant 0 : i32
    %gather3A_722 = tpu.memref_slice %arg7[%gather3A_718, %gather3A_719, %gather3A_720, %gather3A_721] : memref<2x128x2x128xf32, #tpu.memory_space<vmem>> -> memref<1x128x2x128xf32, #tpu.memory_space<vmem>>
    %gather3A_723 = tpu.memref_squeeze %gather3A_722 : memref<1x128x2x128xf32, #tpu.memory_space<vmem>> -> memref<128x2x128xf32, #tpu.memory_space<vmem>>
    %gather3A_724 = tpu.vector_load_idx %gather3A_723[%add3A_717, %broadcast_in_dim3A_1, %and3A_714] : memref<128x2x128xf32, #tpu.memory_space<vmem>>[vector<16xi32>, vector<16xi32>, vector<16xi32>], vector<16xf32>,
    %gather3A_725 = arith.constant 1 : i32
    %gather3A_726 = arith.constant 0 : i32
    %gather3A_727 = arith.constant 0 : i32
    %gather3A_728 = arith.constant 0 : i32
    %gather3A_729 = tpu.memref_slice %arg7[%gather3A_725, %gather3A_726, %gather3A_727, %gather3A_728] : memref<2x128x2x128xf32, #tpu.memory_space<vmem>> -> memref<1x128x2x128xf32, #tpu.memory_space<vmem>>
    %gather3A_730 = tpu.memref_squeeze %gather3A_729 : memref<1x128x2x128xf32, #tpu.memory_space<vmem>> -> memref<128x2x128xf32, #tpu.memory_space<vmem>>
    %gather3A_731 = tpu.vector_load_idx %gather3A_730[%add3A_717, %add3A_4, %and3A_714] : memref<128x2x128xf32, #tpu.memory_space<vmem>>[vector<16xi32>, vector<16xi32>, vector<16xi32>], vector<16xf32>,
    %swap3A_732 = arith.constant 1 : i32
    %swap3A_733 = arith.constant 0 : i32
    %swap3A_734 = arith.index_cast %swap3A_732 : i32 to index
    %swap3A_735 = arith.index_cast %swap3A_733 : i32 to index
    %swap3A_736 = arith.constant 0 : index
    %swap3A_737 = tpu.vector_load %arg8[%swap3A_734, %swap3A_735, %swap3A_736] {strides = array<i32>} : memref<4x2x128xf32, #tpu.memory_space<vmem>>, vector<16xf32>,
    tpu.vector_store %arg8[%swap3A_734, %swap3A_735, %swap3A_736], %gather3A_724 {strides = array<i32>} : memref<4x2x128xf32, #tpu.memory_space<vmem>>, vector<16xf32>,
    %swap3A_738 = arith.constant 1 : i32
    %swap3A_739 = arith.constant 1 : i32
    %swap3A_740 = arith.index_cast %swap3A_738 : i32 to index
    %swap3A_741 = arith.index_cast %swap3A_739 : i32 to index
    %swap3A_742 = arith.constant 0 : index
    %swap3A_743 = tpu.vector_load %arg8[%swap3A_740, %swap3A_741, %swap3A_742] {strides = array<i32>} : memref<4x2x128xf32, #tpu.memory_space<vmem>>, vector<16xf32>,
    tpu.vector_store %arg8[%swap3A_740, %swap3A_741, %swap3A_742], %gather3A_731 {strides = array<i32>} : memref<4x2x128xf32, #tpu.memory_space<vmem>>, vector<16xf32>,
    %get3A_744 = arith.constant 1 : i32
    %get3A_745 = arith.index_cast %get3A_744 : i32 to index
    %get3A_746 = arith.constant 16 : index
    %get3A_747 = tpu.vector_load %arg5[%get3A_745, %get3A_746] {strides = array<i32>} : memref<4x128xi32, #tpu.memory_space<vmem>>, vector<16xi32>,
    %and3A_748 = arith.constant 127 : i32
    %and3A_749 = vector.broadcast %and3A_748 : i32 to vector<16xi32>
    %and3A_750 = arith.andi %get3A_747, %and3A_749 : vector<16xi32>
    %add3A_751 = arith.constant 16 : i32
    %add3A_752 = vector.broadcast %add3A_751 : i32 to vector<16xi32>
    %add3A_753 = arith.addi %iota3A, %add3A_752 : vector<16xi32>
    %gather3A_754 = arith.constant 1 : i32
    %gather3A_755 = arith.constant 0 : i32
    %gather3A_756 = arith.constant 0 : i32
    %gather3A_757 = arith.constant 0 : i32
    %gather3A_758 = tpu.memref_slice %arg7[%gather3A_754, %gather3A_755, %gather3A_756, %gather3A_757] : memref<2x128x2x128xf32, #tpu.memory_space<vmem>> -> memref<1x128x2x128xf32, #tpu.memory_space<vmem>>
    %gather3A_759 = tpu.memref_squeeze %gather3A_758 : memref<1x128x2x128xf32, #tpu.memory_space<vmem>> -> memref<128x2x128xf32, #tpu.memory_space<vmem>>
    %gather3A_760 = tpu.vector_load_idx %gather3A_759[%add3A_753, %broadcast_in_dim3A_1, %and3A_750] : memref<128x2x128xf32, #tpu.memory_space<vmem>>[vector<16xi32>, vector<16xi32>, vector<16xi32>], vector<16xf32>,
    %gather3A_761 = arith.constant 1 : i32
    %gather3A_762 = arith.constant 0 : i32
    %gather3A_763 = arith.constant 0 : i32
    %gather3A_764 = arith.constant 0 : i32
    %gather3A_765 = tpu.memref_slice %arg7[%gather3A_761, %gather3A_762, %gather3A_763, %gather3A_764] : memref<2x128x2x128xf32, #tpu.memory_space<vmem>> -> memref<1x128x2x128xf32, #tpu.memory_space<vmem>>
    %gather3A_766 = tpu.memref_squeeze %gather3A_765 : memref<1x128x2x128xf32, #tpu.memory_space<vmem>> -> memref<128x2x128xf32, #tpu.memory_space<vmem>>
    %gather3A_767 = tpu.vector_load_idx %gather3A_766[%add3A_753, %add3A_4, %and3A_750] : memref<128x2x128xf32, #tpu.memory_space<vmem>>[vector<16xi32>, vector<16xi32>, vector<16xi32>], vector<16xf32>,
    %swap3A_768 = arith.constant 1 : i32
    %swap3A_769 = arith.constant 0 : i32
    %swap3A_770 = arith.index_cast %swap3A_768 : i32 to index
    %swap3A_771 = arith.index_cast %swap3A_769 : i32 to index
    %swap3A_772 = arith.constant 16 : index
    %swap3A_773 = tpu.vector_load %arg8[%swap3A_770, %swap3A_771, %swap3A_772] {strides = array<i32>} : memref<4x2x128xf32, #tpu.memory_space<vmem>>, vector<16xf32>,
    tpu.vector_store %arg8[%swap3A_770, %swap3A_771, %swap3A_772], %gather3A_760 {strides = array<i32>} : memref<4x2x128xf32, #tpu.memory_space<vmem>>, vector<16xf32>,
    %swap3A_774 = arith.constant 1 : i32
    %swap3A_775 = arith.constant 1 : i32
    %swap3A_776 = arith.index_cast %swap3A_774 : i32 to index
    %swap3A_777 = arith.index_cast %swap3A_775 : i32 to index
    %swap3A_778 = arith.constant 16 : index
    %swap3A_779 = tpu.vector_load %arg8[%swap3A_776, %swap3A_777, %swap3A_778] {strides = array<i32>} : memref<4x2x128xf32, #tpu.memory_space<vmem>>, vector<16xf32>,
    tpu.vector_store %arg8[%swap3A_776, %swap3A_777, %swap3A_778], %gather3A_767 {strides = array<i32>} : memref<4x2x128xf32, #tpu.memory_space<vmem>>, vector<16xf32>,
    %get3A_780 = arith.constant 1 : i32
    %get3A_781 = arith.index_cast %get3A_780 : i32 to index
    %get3A_782 = arith.constant 32 : index
    %get3A_783 = tpu.vector_load %arg5[%get3A_781, %get3A_782] {strides = array<i32>} : memref<4x128xi32, #tpu.memory_space<vmem>>, vector<16xi32>,
    %and3A_784 = arith.constant 127 : i32
    %and3A_785 = vector.broadcast %and3A_784 : i32 to vector<16xi32>
    %and3A_786 = arith.andi %get3A_783, %and3A_785 : vector<16xi32>
    %add3A_787 = arith.constant 32 : i32
    %add3A_788 = vector.broadcast %add3A_787 : i32 to vector<16xi32>
    %add3A_789 = arith.addi %iota3A, %add3A_788 : vector<16xi32>
    %gather3A_790 = arith.constant 1 : i32
    %gather3A_791 = arith.constant 0 : i32
    %gather3A_792 = arith.constant 0 : i32
    %gather3A_793 = arith.constant 0 : i32
    %gather3A_794 = tpu.memref_slice %arg7[%gather3A_790, %gather3A_791, %gather3A_792, %gather3A_793] : memref<2x128x2x128xf32, #tpu.memory_space<vmem>> -> memref<1x128x2x128xf32, #tpu.memory_space<vmem>>
    %gather3A_795 = tpu.memref_squeeze %gather3A_794 : memref<1x128x2x128xf32, #tpu.memory_space<vmem>> -> memref<128x2x128xf32, #tpu.memory_space<vmem>>
    %gather3A_796 = tpu.vector_load_idx %gather3A_795[%add3A_789, %broadcast_in_dim3A_1, %and3A_786] : memref<128x2x128xf32, #tpu.memory_space<vmem>>[vector<16xi32>, vector<16xi32>, vector<16xi32>], vector<16xf32>,
    %gather3A_797 = arith.constant 1 : i32
    %gather3A_798 = arith.constant 0 : i32
    %gather3A_799 = arith.constant 0 : i32
    %gather3A_800 = arith.constant 0 : i32
    %gather3A_801 = tpu.memref_slice %arg7[%gather3A_797, %gather3A_798, %gather3A_799, %gather3A_800] : memref<2x128x2x128xf32, #tpu.memory_space<vmem>> -> memref<1x128x2x128xf32, #tpu.memory_space<vmem>>
    %gather3A_802 = tpu.memref_squeeze %gather3A_801 : memref<1x128x2x128xf32, #tpu.memory_space<vmem>> -> memref<128x2x128xf32, #tpu.memory_space<vmem>>
    %gather3A_803 = tpu.vector_load_idx %gather3A_802[%add3A_789, %add3A_4, %and3A_786] : memref<128x2x128xf32, #tpu.memory_space<vmem>>[vector<16xi32>, vector<16xi32>, vector<16xi32>], vector<16xf32>,
    %swap3A_804 = arith.constant 1 : i32
    %swap3A_805 = arith.constant 0 : i32
    %swap3A_806 = arith.index_cast %swap3A_804 : i32 to index
    %swap3A_807 = arith.index_cast %swap3A_805 : i32 to index
    %swap3A_808 = arith.constant 32 : index
    %swap3A_809 = tpu.vector_load %arg8[%swap3A_806, %swap3A_807, %swap3A_808] {strides = array<i32>} : memref<4x2x128xf32, #tpu.memory_space<vmem>>, vector<16xf32>,
    tpu.vector_store %arg8[%swap3A_806, %swap3A_807, %swap3A_808], %gather3A_796 {strides = array<i32>} : memref<4x2x128xf32, #tpu.memory_space<vmem>>, vector<16xf32>,
    %swap3A_810 = arith.constant 1 : i32
    %swap3A_811 = arith.constant 1 : i32
    %swap3A_812 = arith.index_cast %swap3A_810 : i32 to index
    %swap3A_813 = arith.index_cast %swap3A_811 : i32 to index
    %swap3A_814 = arith.constant 32 : index
    %swap3A_815 = tpu.vector_load %arg8[%swap3A_812, %swap3A_813, %swap3A_814] {strides = array<i32>} : memref<4x2x128xf32, #tpu.memory_space<vmem>>, vector<16xf32>,
    tpu.vector_store %arg8[%swap3A_812, %swap3A_813, %swap3A_814], %gather3A_803 {strides = array<i32>} : memref<4x2x128xf32, #tpu.memory_space<vmem>>, vector<16xf32>,
    %get3A_816 = arith.constant 1 : i32
    %get3A_817 = arith.index_cast %get3A_816 : i32 to index
    %get3A_818 = arith.constant 48 : index
    %get3A_819 = tpu.vector_load %arg5[%get3A_817, %get3A_818] {strides = array<i32>} : memref<4x128xi32, #tpu.memory_space<vmem>>, vector<16xi32>,
    %and3A_820 = arith.constant 127 : i32
    %and3A_821 = vector.broadcast %and3A_820 : i32 to vector<16xi32>
    %and3A_822 = arith.andi %get3A_819, %and3A_821 : vector<16xi32>
    %add3A_823 = arith.constant 48 : i32
    %add3A_824 = vector.broadcast %add3A_823 : i32 to vector<16xi32>
    %add3A_825 = arith.addi %iota3A, %add3A_824 : vector<16xi32>
    %gather3A_826 = arith.constant 1 : i32
    %gather3A_827 = arith.constant 0 : i32
    %gather3A_828 = arith.constant 0 : i32
    %gather3A_829 = arith.constant 0 : i32
    %gather3A_830 = tpu.memref_slice %arg7[%gather3A_826, %gather3A_827, %gather3A_828, %gather3A_829] : memref<2x128x2x128xf32, #tpu.memory_space<vmem>> -> memref<1x128x2x128xf32, #tpu.memory_space<vmem>>
    %gather3A_831 = tpu.memref_squeeze %gather3A_830 : memref<1x128x2x128xf32, #tpu.memory_space<vmem>> -> memref<128x2x128xf32, #tpu.memory_space<vmem>>
    %gather3A_832 = tpu.vector_load_idx %gather3A_831[%add3A_825, %broadcast_in_dim3A_1, %and3A_822] : memref<128x2x128xf32, #tpu.memory_space<vmem>>[vector<16xi32>, vector<16xi32>, vector<16xi32>], vector<16xf32>,
    %gather3A_833 = arith.constant 1 : i32
    %gather3A_834 = arith.constant 0 : i32
    %gather3A_835 = arith.constant 0 : i32
    %gather3A_836 = arith.constant 0 : i32
    %gather3A_837 = tpu.memref_slice %arg7[%gather3A_833, %gather3A_834, %gather3A_835, %gather3A_836] : memref<2x128x2x128xf32, #tpu.memory_space<vmem>> -> memref<1x128x2x128xf32, #tpu.memory_space<vmem>>
    %gather3A_838 = tpu.memref_squeeze %gather3A_837 : memref<1x128x2x128xf32, #tpu.memory_space<vmem>> -> memref<128x2x128xf32, #tpu.memory_space<vmem>>
    %gather3A_839 = tpu.vector_load_idx %gather3A_838[%add3A_825, %add3A_4, %and3A_822] : memref<128x2x128xf32, #tpu.memory_space<vmem>>[vector<16xi32>, vector<16xi32>, vector<16xi32>], vector<16xf32>,
    %swap3A_840 = arith.constant 1 : i32
    %swap3A_841 = arith.constant 0 : i32
    %swap3A_842 = arith.index_cast %swap3A_840 : i32 to index
    %swap3A_843 = arith.index_cast %swap3A_841 : i32 to index
    %swap3A_844 = arith.constant 48 : index
    %swap3A_845 = tpu.vector_load %arg8[%swap3A_842, %swap3A_843, %swap3A_844] {strides = array<i32>} : memref<4x2x128xf32, #tpu.memory_space<vmem>>, vector<16xf32>,
    tpu.vector_store %arg8[%swap3A_842, %swap3A_843, %swap3A_844], %gather3A_832 {strides = array<i32>} : memref<4x2x128xf32, #tpu.memory_space<vmem>>, vector<16xf32>,
    %swap3A_846 = arith.constant 1 : i32
    %swap3A_847 = arith.constant 1 : i32
    %swap3A_848 = arith.index_cast %swap3A_846 : i32 to index
    %swap3A_849 = arith.index_cast %swap3A_847 : i32 to index
    %swap3A_850 = arith.constant 48 : index
    %swap3A_851 = tpu.vector_load %arg8[%swap3A_848, %swap3A_849, %swap3A_850] {strides = array<i32>} : memref<4x2x128xf32, #tpu.memory_space<vmem>>, vector<16xf32>,
    tpu.vector_store %arg8[%swap3A_848, %swap3A_849, %swap3A_850], %gather3A_839 {strides = array<i32>} : memref<4x2x128xf32, #tpu.memory_space<vmem>>, vector<16xf32>,
    %get3A_852 = arith.constant 1 : i32
    %get3A_853 = arith.index_cast %get3A_852 : i32 to index
    %get3A_854 = arith.constant 64 : index
    %get3A_855 = tpu.vector_load %arg5[%get3A_853, %get3A_854] {strides = array<i32>} : memref<4x128xi32, #tpu.memory_space<vmem>>, vector<16xi32>,
    %and3A_856 = arith.constant 127 : i32
    %and3A_857 = vector.broadcast %and3A_856 : i32 to vector<16xi32>
    %and3A_858 = arith.andi %get3A_855, %and3A_857 : vector<16xi32>
    %add3A_859 = arith.constant 64 : i32
    %add3A_860 = vector.broadcast %add3A_859 : i32 to vector<16xi32>
    %add3A_861 = arith.addi %iota3A, %add3A_860 : vector<16xi32>
    %gather3A_862 = arith.constant 1 : i32
    %gather3A_863 = arith.constant 0 : i32
    %gather3A_864 = arith.constant 0 : i32
    %gather3A_865 = arith.constant 0 : i32
    %gather3A_866 = tpu.memref_slice %arg7[%gather3A_862, %gather3A_863, %gather3A_864, %gather3A_865] : memref<2x128x2x128xf32, #tpu.memory_space<vmem>> -> memref<1x128x2x128xf32, #tpu.memory_space<vmem>>
    %gather3A_867 = tpu.memref_squeeze %gather3A_866 : memref<1x128x2x128xf32, #tpu.memory_space<vmem>> -> memref<128x2x128xf32, #tpu.memory_space<vmem>>
    %gather3A_868 = tpu.vector_load_idx %gather3A_867[%add3A_861, %broadcast_in_dim3A_1, %and3A_858] : memref<128x2x128xf32, #tpu.memory_space<vmem>>[vector<16xi32>, vector<16xi32>, vector<16xi32>], vector<16xf32>,
    %gather3A_869 = arith.constant 1 : i32
    %gather3A_870 = arith.constant 0 : i32
    %gather3A_871 = arith.constant 0 : i32
    %gather3A_872 = arith.constant 0 : i32
    %gather3A_873 = tpu.memref_slice %arg7[%gather3A_869, %gather3A_870, %gather3A_871, %gather3A_872] : memref<2x128x2x128xf32, #tpu.memory_space<vmem>> -> memref<1x128x2x128xf32, #tpu.memory_space<vmem>>
    %gather3A_874 = tpu.memref_squeeze %gather3A_873 : memref<1x128x2x128xf32, #tpu.memory_space<vmem>> -> memref<128x2x128xf32, #tpu.memory_space<vmem>>
    %gather3A_875 = tpu.vector_load_idx %gather3A_874[%add3A_861, %add3A_4, %and3A_858] : memref<128x2x128xf32, #tpu.memory_space<vmem>>[vector<16xi32>, vector<16xi32>, vector<16xi32>], vector<16xf32>,
    %swap3A_876 = arith.constant 1 : i32
    %swap3A_877 = arith.constant 0 : i32
    %swap3A_878 = arith.index_cast %swap3A_876 : i32 to index
    %swap3A_879 = arith.index_cast %swap3A_877 : i32 to index
    %swap3A_880 = arith.constant 64 : index
    %swap3A_881 = tpu.vector_load %arg8[%swap3A_878, %swap3A_879, %swap3A_880] {strides = array<i32>} : memref<4x2x128xf32, #tpu.memory_space<vmem>>, vector<16xf32>,
    tpu.vector_store %arg8[%swap3A_878, %swap3A_879, %swap3A_880], %gather3A_868 {strides = array<i32>} : memref<4x2x128xf32, #tpu.memory_space<vmem>>, vector<16xf32>,
    %swap3A_882 = arith.constant 1 : i32
    %swap3A_883 = arith.constant 1 : i32
    %swap3A_884 = arith.index_cast %swap3A_882 : i32 to index
    %swap3A_885 = arith.index_cast %swap3A_883 : i32 to index
    %swap3A_886 = arith.constant 64 : index
    %swap3A_887 = tpu.vector_load %arg8[%swap3A_884, %swap3A_885, %swap3A_886] {strides = array<i32>} : memref<4x2x128xf32, #tpu.memory_space<vmem>>, vector<16xf32>,
    tpu.vector_store %arg8[%swap3A_884, %swap3A_885, %swap3A_886], %gather3A_875 {strides = array<i32>} : memref<4x2x128xf32, #tpu.memory_space<vmem>>, vector<16xf32>,
    %get3A_888 = arith.constant 1 : i32
    %get3A_889 = arith.index_cast %get3A_888 : i32 to index
    %get3A_890 = arith.constant 80 : index
    %get3A_891 = tpu.vector_load %arg5[%get3A_889, %get3A_890] {strides = array<i32>} : memref<4x128xi32, #tpu.memory_space<vmem>>, vector<16xi32>,
    %and3A_892 = arith.constant 127 : i32
    %and3A_893 = vector.broadcast %and3A_892 : i32 to vector<16xi32>
    %and3A_894 = arith.andi %get3A_891, %and3A_893 : vector<16xi32>
    %add3A_895 = arith.constant 80 : i32
    %add3A_896 = vector.broadcast %add3A_895 : i32 to vector<16xi32>
    %add3A_897 = arith.addi %iota3A, %add3A_896 : vector<16xi32>
    %gather3A_898 = arith.constant 1 : i32
    %gather3A_899 = arith.constant 0 : i32
    %gather3A_900 = arith.constant 0 : i32
    %gather3A_901 = arith.constant 0 : i32
    %gather3A_902 = tpu.memref_slice %arg7[%gather3A_898, %gather3A_899, %gather3A_900, %gather3A_901] : memref<2x128x2x128xf32, #tpu.memory_space<vmem>> -> memref<1x128x2x128xf32, #tpu.memory_space<vmem>>
    %gather3A_903 = tpu.memref_squeeze %gather3A_902 : memref<1x128x2x128xf32, #tpu.memory_space<vmem>> -> memref<128x2x128xf32, #tpu.memory_space<vmem>>
    %gather3A_904 = tpu.vector_load_idx %gather3A_903[%add3A_897, %broadcast_in_dim3A_1, %and3A_894] : memref<128x2x128xf32, #tpu.memory_space<vmem>>[vector<16xi32>, vector<16xi32>, vector<16xi32>], vector<16xf32>,
    %gather3A_905 = arith.constant 1 : i32
    %gather3A_906 = arith.constant 0 : i32
    %gather3A_907 = arith.constant 0 : i32
    %gather3A_908 = arith.constant 0 : i32
    %gather3A_909 = tpu.memref_slice %arg7[%gather3A_905, %gather3A_906, %gather3A_907, %gather3A_908] : memref<2x128x2x128xf32, #tpu.memory_space<vmem>> -> memref<1x128x2x128xf32, #tpu.memory_space<vmem>>
    %gather3A_910 = tpu.memref_squeeze %gather3A_909 : memref<1x128x2x128xf32, #tpu.memory_space<vmem>> -> memref<128x2x128xf32, #tpu.memory_space<vmem>>
    %gather3A_911 = tpu.vector_load_idx %gather3A_910[%add3A_897, %add3A_4, %and3A_894] : memref<128x2x128xf32, #tpu.memory_space<vmem>>[vector<16xi32>, vector<16xi32>, vector<16xi32>], vector<16xf32>,
    %swap3A_912 = arith.constant 1 : i32
    %swap3A_913 = arith.constant 0 : i32
    %swap3A_914 = arith.index_cast %swap3A_912 : i32 to index
    %swap3A_915 = arith.index_cast %swap3A_913 : i32 to index
    %swap3A_916 = arith.constant 80 : index
    %swap3A_917 = tpu.vector_load %arg8[%swap3A_914, %swap3A_915, %swap3A_916] {strides = array<i32>} : memref<4x2x128xf32, #tpu.memory_space<vmem>>, vector<16xf32>,
    tpu.vector_store %arg8[%swap3A_914, %swap3A_915, %swap3A_916], %gather3A_904 {strides = array<i32>} : memref<4x2x128xf32, #tpu.memory_space<vmem>>, vector<16xf32>,
    %swap3A_918 = arith.constant 1 : i32
    %swap3A_919 = arith.constant 1 : i32
    %swap3A_920 = arith.index_cast %swap3A_918 : i32 to index
    %swap3A_921 = arith.index_cast %swap3A_919 : i32 to index
    %swap3A_922 = arith.constant 80 : index
    %swap3A_923 = tpu.vector_load %arg8[%swap3A_920, %swap3A_921, %swap3A_922] {strides = array<i32>} : memref<4x2x128xf32, #tpu.memory_space<vmem>>, vector<16xf32>,
    tpu.vector_store %arg8[%swap3A_920, %swap3A_921, %swap3A_922], %gather3A_911 {strides = array<i32>} : memref<4x2x128xf32, #tpu.memory_space<vmem>>, vector<16xf32>,
    %get3A_924 = arith.constant 1 : i32
    %get3A_925 = arith.index_cast %get3A_924 : i32 to index
    %get3A_926 = arith.constant 96 : index
    %get3A_927 = tpu.vector_load %arg5[%get3A_925, %get3A_926] {strides = array<i32>} : memref<4x128xi32, #tpu.memory_space<vmem>>, vector<16xi32>,
    %and3A_928 = arith.constant 127 : i32
    %and3A_929 = vector.broadcast %and3A_928 : i32 to vector<16xi32>
    %and3A_930 = arith.andi %get3A_927, %and3A_929 : vector<16xi32>
    %add3A_931 = arith.constant 96 : i32
    %add3A_932 = vector.broadcast %add3A_931 : i32 to vector<16xi32>
    %add3A_933 = arith.addi %iota3A, %add3A_932 : vector<16xi32>
    %gather3A_934 = arith.constant 1 : i32
    %gather3A_935 = arith.constant 0 : i32
    %gather3A_936 = arith.constant 0 : i32
    %gather3A_937 = arith.constant 0 : i32
    %gather3A_938 = tpu.memref_slice %arg7[%gather3A_934, %gather3A_935, %gather3A_936, %gather3A_937] : memref<2x128x2x128xf32, #tpu.memory_space<vmem>> -> memref<1x128x2x128xf32, #tpu.memory_space<vmem>>
    %gather3A_939 = tpu.memref_squeeze %gather3A_938 : memref<1x128x2x128xf32, #tpu.memory_space<vmem>> -> memref<128x2x128xf32, #tpu.memory_space<vmem>>
    %gather3A_940 = tpu.vector_load_idx %gather3A_939[%add3A_933, %broadcast_in_dim3A_1, %and3A_930] : memref<128x2x128xf32, #tpu.memory_space<vmem>>[vector<16xi32>, vector<16xi32>, vector<16xi32>], vector<16xf32>,
    %gather3A_941 = arith.constant 1 : i32
    %gather3A_942 = arith.constant 0 : i32
    %gather3A_943 = arith.constant 0 : i32
    %gather3A_944 = arith.constant 0 : i32
    %gather3A_945 = tpu.memref_slice %arg7[%gather3A_941, %gather3A_942, %gather3A_943, %gather3A_944] : memref<2x128x2x128xf32, #tpu.memory_space<vmem>> -> memref<1x128x2x128xf32, #tpu.memory_space<vmem>>
    %gather3A_946 = tpu.memref_squeeze %gather3A_945 : memref<1x128x2x128xf32, #tpu.memory_space<vmem>> -> memref<128x2x128xf32, #tpu.memory_space<vmem>>
    %gather3A_947 = tpu.vector_load_idx %gather3A_946[%add3A_933, %add3A_4, %and3A_930] : memref<128x2x128xf32, #tpu.memory_space<vmem>>[vector<16xi32>, vector<16xi32>, vector<16xi32>], vector<16xf32>,
    %swap3A_948 = arith.constant 1 : i32
    %swap3A_949 = arith.constant 0 : i32
    %swap3A_950 = arith.index_cast %swap3A_948 : i32 to index
    %swap3A_951 = arith.index_cast %swap3A_949 : i32 to index
    %swap3A_952 = arith.constant 96 : index
    %swap3A_953 = tpu.vector_load %arg8[%swap3A_950, %swap3A_951, %swap3A_952] {strides = array<i32>} : memref<4x2x128xf32, #tpu.memory_space<vmem>>, vector<16xf32>,
    tpu.vector_store %arg8[%swap3A_950, %swap3A_951, %swap3A_952], %gather3A_940 {strides = array<i32>} : memref<4x2x128xf32, #tpu.memory_space<vmem>>, vector<16xf32>,
    %swap3A_954 = arith.constant 1 : i32
    %swap3A_955 = arith.constant 1 : i32
    %swap3A_956 = arith.index_cast %swap3A_954 : i32 to index
    %swap3A_957 = arith.index_cast %swap3A_955 : i32 to index
    %swap3A_958 = arith.constant 96 : index
    %swap3A_959 = tpu.vector_load %arg8[%swap3A_956, %swap3A_957, %swap3A_958] {strides = array<i32>} : memref<4x2x128xf32, #tpu.memory_space<vmem>>, vector<16xf32>,
    tpu.vector_store %arg8[%swap3A_956, %swap3A_957, %swap3A_958], %gather3A_947 {strides = array<i32>} : memref<4x2x128xf32, #tpu.memory_space<vmem>>, vector<16xf32>,
    %get3A_960 = arith.constant 1 : i32
    %get3A_961 = arith.index_cast %get3A_960 : i32 to index
    %get3A_962 = arith.constant 112 : index
    %get3A_963 = tpu.vector_load %arg5[%get3A_961, %get3A_962] {strides = array<i32>} : memref<4x128xi32, #tpu.memory_space<vmem>>, vector<16xi32>,
    %and3A_964 = arith.constant 127 : i32
    %and3A_965 = vector.broadcast %and3A_964 : i32 to vector<16xi32>
    %and3A_966 = arith.andi %get3A_963, %and3A_965 : vector<16xi32>
    %add3A_967 = arith.constant 112 : i32
    %add3A_968 = vector.broadcast %add3A_967 : i32 to vector<16xi32>
    %add3A_969 = arith.addi %iota3A, %add3A_968 : vector<16xi32>
    %gather3A_970 = arith.constant 1 : i32
    %gather3A_971 = arith.constant 0 : i32
    %gather3A_972 = arith.constant 0 : i32
    %gather3A_973 = arith.constant 0 : i32
    %gather3A_974 = tpu.memref_slice %arg7[%gather3A_970, %gather3A_971, %gather3A_972, %gather3A_973] : memref<2x128x2x128xf32, #tpu.memory_space<vmem>> -> memref<1x128x2x128xf32, #tpu.memory_space<vmem>>
    %gather3A_975 = tpu.memref_squeeze %gather3A_974 : memref<1x128x2x128xf32, #tpu.memory_space<vmem>> -> memref<128x2x128xf32, #tpu.memory_space<vmem>>
    %gather3A_976 = tpu.vector_load_idx %gather3A_975[%add3A_969, %broadcast_in_dim3A_1, %and3A_966] : memref<128x2x128xf32, #tpu.memory_space<vmem>>[vector<16xi32>, vector<16xi32>, vector<16xi32>], vector<16xf32>,
    %gather3A_977 = arith.constant 1 : i32
    %gather3A_978 = arith.constant 0 : i32
    %gather3A_979 = arith.constant 0 : i32
    %gather3A_980 = arith.constant 0 : i32
    %gather3A_981 = tpu.memref_slice %arg7[%gather3A_977, %gather3A_978, %gather3A_979, %gather3A_980] : memref<2x128x2x128xf32, #tpu.memory_space<vmem>> -> memref<1x128x2x128xf32, #tpu.memory_space<vmem>>
    %gather3A_982 = tpu.memref_squeeze %gather3A_981 : memref<1x128x2x128xf32, #tpu.memory_space<vmem>> -> memref<128x2x128xf32, #tpu.memory_space<vmem>>
    %gather3A_983 = tpu.vector_load_idx %gather3A_982[%add3A_969, %add3A_4, %and3A_966] : memref<128x2x128xf32, #tpu.memory_space<vmem>>[vector<16xi32>, vector<16xi32>, vector<16xi32>], vector<16xf32>,
    %swap3A_984 = arith.constant 1 : i32
    %swap3A_985 = arith.constant 0 : i32
    %swap3A_986 = arith.index_cast %swap3A_984 : i32 to index
    %swap3A_987 = arith.index_cast %swap3A_985 : i32 to index
    %swap3A_988 = arith.constant 112 : index
    %swap3A_989 = tpu.vector_load %arg8[%swap3A_986, %swap3A_987, %swap3A_988] {strides = array<i32>} : memref<4x2x128xf32, #tpu.memory_space<vmem>>, vector<16xf32>,
    tpu.vector_store %arg8[%swap3A_986, %swap3A_987, %swap3A_988], %gather3A_976 {strides = array<i32>} : memref<4x2x128xf32, #tpu.memory_space<vmem>>, vector<16xf32>,
    %swap3A_990 = arith.constant 1 : i32
    %swap3A_991 = arith.constant 1 : i32
    %swap3A_992 = arith.index_cast %swap3A_990 : i32 to index
    %swap3A_993 = arith.index_cast %swap3A_991 : i32 to index
    %swap3A_994 = arith.constant 112 : index
    %swap3A_995 = tpu.vector_load %arg8[%swap3A_992, %swap3A_993, %swap3A_994] {strides = array<i32>} : memref<4x2x128xf32, #tpu.memory_space<vmem>>, vector<16xf32>,
    tpu.vector_store %arg8[%swap3A_992, %swap3A_993, %swap3A_994], %gather3A_983 {strides = array<i32>} : memref<4x2x128xf32, #tpu.memory_space<vmem>>, vector<16xf32>,
    %dma_start3A_996 = arith.constant 3 : i32
    %dma_start3A_997 = arith.constant 1 : i32
    %dma_start3A_998 = arith.constant 0 : i32
    %dma_start3A_999 = arith.constant 0 : i32
    %dma_start3A_1000 = arith.constant 0 : i32
    %dma_start3A_1001 = tpu.memref_slice %arg7[%dma_start3A_997, %dma_start3A_998, %dma_start3A_999, %dma_start3A_1000] : memref<2x128x2x128xf32, #tpu.memory_space<vmem>> -> memref<1x128x2x128xf32, #tpu.memory_space<vmem>>
    %dma_start3A_1002 = tpu.memref_squeeze %dma_start3A_1001 : memref<1x128x2x128xf32, #tpu.memory_space<vmem>> -> memref<128x2x128xf32, #tpu.memory_space<vmem>>
    %dma_start3A_1003 = arith.constant 0 : i32
    %dma_start3A_1004 = tpu.memref_slice %arg6[%dma_start3A_996, %dma_start3A_1003] : memref<4x128xi32, #tpu.memory_space<vmem>> -> memref<1x128xi32, #tpu.memory_space<vmem>>
    %dma_start3A_1005 = tpu.memref_squeeze %dma_start3A_1004 : memref<1x128xi32, #tpu.memory_space<vmem>> -> memref<128xi32, #tpu.memory_space<vmem>>
    %dma_start3A_1006 = arith.constant 0 : i32
    %dma_start3A_1007 = arith.constant 0 : i32
    %dma_start3A_1008 = arith.constant 0 : i32
    %dma_start3A_1009 = tpu.memref_slice %arg3[%dma_start3A_1006, %dma_start3A_1007, %dma_start3A_1008] : memref<7936x2x128xf32, #tpu.memory_space<hbm>> -> memref<7936x2x128xf32, #tpu.memory_space<hbm>>
    tpu.enqueue_indirect_dma source(%dma_start3A_1009 : memref<7936x2x128xf32, #tpu.memory_space<hbm>>) target(%dma_start3A_1002 : memref<128x2x128xf32, #tpu.memory_space<vmem>>) offsets(%dma_start3A_1005 : memref<128xi32, #tpu.memory_space<vmem>>) semaphore(%arg10 : memref<!tpu.dma_semaphore, #tpu.memory_space<semaphore_mem>>)
    %dma_wait3A_1010 = arith.constant 2 : i32
    %dma_wait3A_1011 = arith.constant 0 : i32
    %dma_wait3A_1012 = arith.constant 0 : i32
    %dma_wait3A_1013 = arith.constant 0 : i32
    %dma_wait3A_1014 = arith.constant 0 : i32
    %dma_wait3A_1015 = tpu.memref_slice %arg7[%dma_wait3A_1011, %dma_wait3A_1012, %dma_wait3A_1013, %dma_wait3A_1014] : memref<2x128x2x128xf32, #tpu.memory_space<vmem>> -> memref<1x128x2x128xf32, #tpu.memory_space<vmem>>
    %dma_wait3A_1016 = tpu.memref_squeeze %dma_wait3A_1015 : memref<1x128x2x128xf32, #tpu.memory_space<vmem>> -> memref<128x2x128xf32, #tpu.memory_space<vmem>>
    %dma_wait3A_1017 = arith.constant 0 : i32
    %dma_wait3A_1018 = tpu.memref_slice %arg6[%dma_wait3A_1010, %dma_wait3A_1017] : memref<4x128xi32, #tpu.memory_space<vmem>> -> memref<1x128xi32, #tpu.memory_space<vmem>>
    %dma_wait3A_1019 = tpu.memref_squeeze %dma_wait3A_1018 : memref<1x128xi32, #tpu.memory_space<vmem>> -> memref<128xi32, #tpu.memory_space<vmem>>
    %dma_wait3A_1020 = arith.constant 0 : i32
    %dma_wait3A_1021 = arith.constant 0 : i32
    %dma_wait3A_1022 = arith.constant 0 : i32
    %dma_wait3A_1023 = tpu.memref_slice %arg3[%dma_wait3A_1020, %dma_wait3A_1021, %dma_wait3A_1022] : memref<7936x2x128xf32, #tpu.memory_space<hbm>> -> memref<7936x2x128xf32, #tpu.memory_space<hbm>>
    tpu.wait_indirect_dma semaphore(%arg9 : memref<!tpu.dma_semaphore, #tpu.memory_space<semaphore_mem>>) src(%dma_wait3A_1023 : memref<7936x2x128xf32, #tpu.memory_space<hbm>>) dst(%dma_wait3A_1016 : memref<128x2x128xf32, #tpu.memory_space<vmem>>)
    %get3A_1024 = arith.constant 2 : i32
    %get3A_1025 = arith.index_cast %get3A_1024 : i32 to index
    %get3A_1026 = arith.constant 0 : index
    %get3A_1027 = tpu.vector_load %arg5[%get3A_1025, %get3A_1026] {strides = array<i32>} : memref<4x128xi32, #tpu.memory_space<vmem>>, vector<16xi32>,
    %and3A_1028 = arith.constant 127 : i32
    %and3A_1029 = vector.broadcast %and3A_1028 : i32 to vector<16xi32>
    %and3A_1030 = arith.andi %get3A_1027, %and3A_1029 : vector<16xi32>
    %add3A_1031 = arith.constant 0 : i32
    %add3A_1032 = vector.broadcast %add3A_1031 : i32 to vector<16xi32>
    %add3A_1033 = arith.addi %iota3A, %add3A_1032 : vector<16xi32>
    %gather3A_1034 = arith.constant 0 : i32
    %gather3A_1035 = arith.constant 0 : i32
    %gather3A_1036 = arith.constant 0 : i32
    %gather3A_1037 = arith.constant 0 : i32
    %gather3A_1038 = tpu.memref_slice %arg7[%gather3A_1034, %gather3A_1035, %gather3A_1036, %gather3A_1037] : memref<2x128x2x128xf32, #tpu.memory_space<vmem>> -> memref<1x128x2x128xf32, #tpu.memory_space<vmem>>
    %gather3A_1039 = tpu.memref_squeeze %gather3A_1038 : memref<1x128x2x128xf32, #tpu.memory_space<vmem>> -> memref<128x2x128xf32, #tpu.memory_space<vmem>>
    %gather3A_1040 = tpu.vector_load_idx %gather3A_1039[%add3A_1033, %broadcast_in_dim3A_1, %and3A_1030] : memref<128x2x128xf32, #tpu.memory_space<vmem>>[vector<16xi32>, vector<16xi32>, vector<16xi32>], vector<16xf32>,
    %gather3A_1041 = arith.constant 0 : i32
    %gather3A_1042 = arith.constant 0 : i32
    %gather3A_1043 = arith.constant 0 : i32
    %gather3A_1044 = arith.constant 0 : i32
    %gather3A_1045 = tpu.memref_slice %arg7[%gather3A_1041, %gather3A_1042, %gather3A_1043, %gather3A_1044] : memref<2x128x2x128xf32, #tpu.memory_space<vmem>> -> memref<1x128x2x128xf32, #tpu.memory_space<vmem>>
    %gather3A_1046 = tpu.memref_squeeze %gather3A_1045 : memref<1x128x2x128xf32, #tpu.memory_space<vmem>> -> memref<128x2x128xf32, #tpu.memory_space<vmem>>
    %gather3A_1047 = tpu.vector_load_idx %gather3A_1046[%add3A_1033, %add3A_4, %and3A_1030] : memref<128x2x128xf32, #tpu.memory_space<vmem>>[vector<16xi32>, vector<16xi32>, vector<16xi32>], vector<16xf32>,
    %swap3A_1048 = arith.constant 2 : i32
    %swap3A_1049 = arith.constant 0 : i32
    %swap3A_1050 = arith.index_cast %swap3A_1048 : i32 to index
    %swap3A_1051 = arith.index_cast %swap3A_1049 : i32 to index
    %swap3A_1052 = arith.constant 0 : index
    %swap3A_1053 = tpu.vector_load %arg8[%swap3A_1050, %swap3A_1051, %swap3A_1052] {strides = array<i32>} : memref<4x2x128xf32, #tpu.memory_space<vmem>>, vector<16xf32>,
    tpu.vector_store %arg8[%swap3A_1050, %swap3A_1051, %swap3A_1052], %gather3A_1040 {strides = array<i32>} : memref<4x2x128xf32, #tpu.memory_space<vmem>>, vector<16xf32>,
    %swap3A_1054 = arith.constant 2 : i32
    %swap3A_1055 = arith.constant 1 : i32
    %swap3A_1056 = arith.index_cast %swap3A_1054 : i32 to index
    %swap3A_1057 = arith.index_cast %swap3A_1055 : i32 to index
    %swap3A_1058 = arith.constant 0 : index
    %swap3A_1059 = tpu.vector_load %arg8[%swap3A_1056, %swap3A_1057, %swap3A_1058] {strides = array<i32>} : memref<4x2x128xf32, #tpu.memory_space<vmem>>, vector<16xf32>,
    tpu.vector_store %arg8[%swap3A_1056, %swap3A_1057, %swap3A_1058], %gather3A_1047 {strides = array<i32>} : memref<4x2x128xf32, #tpu.memory_space<vmem>>, vector<16xf32>,
    %get3A_1060 = arith.constant 2 : i32
    %get3A_1061 = arith.index_cast %get3A_1060 : i32 to index
    %get3A_1062 = arith.constant 16 : index
    %get3A_1063 = tpu.vector_load %arg5[%get3A_1061, %get3A_1062] {strides = array<i32>} : memref<4x128xi32, #tpu.memory_space<vmem>>, vector<16xi32>,
    %and3A_1064 = arith.constant 127 : i32
    %and3A_1065 = vector.broadcast %and3A_1064 : i32 to vector<16xi32>
    %and3A_1066 = arith.andi %get3A_1063, %and3A_1065 : vector<16xi32>
    %add3A_1067 = arith.constant 16 : i32
    %add3A_1068 = vector.broadcast %add3A_1067 : i32 to vector<16xi32>
    %add3A_1069 = arith.addi %iota3A, %add3A_1068 : vector<16xi32>
    %gather3A_1070 = arith.constant 0 : i32
    %gather3A_1071 = arith.constant 0 : i32
    %gather3A_1072 = arith.constant 0 : i32
    %gather3A_1073 = arith.constant 0 : i32
    %gather3A_1074 = tpu.memref_slice %arg7[%gather3A_1070, %gather3A_1071, %gather3A_1072, %gather3A_1073] : memref<2x128x2x128xf32, #tpu.memory_space<vmem>> -> memref<1x128x2x128xf32, #tpu.memory_space<vmem>>
    %gather3A_1075 = tpu.memref_squeeze %gather3A_1074 : memref<1x128x2x128xf32, #tpu.memory_space<vmem>> -> memref<128x2x128xf32, #tpu.memory_space<vmem>>
    %gather3A_1076 = tpu.vector_load_idx %gather3A_1075[%add3A_1069, %broadcast_in_dim3A_1, %and3A_1066] : memref<128x2x128xf32, #tpu.memory_space<vmem>>[vector<16xi32>, vector<16xi32>, vector<16xi32>], vector<16xf32>,
    %gather3A_1077 = arith.constant 0 : i32
    %gather3A_1078 = arith.constant 0 : i32
    %gather3A_1079 = arith.constant 0 : i32
    %gather3A_1080 = arith.constant 0 : i32
    %gather3A_1081 = tpu.memref_slice %arg7[%gather3A_1077, %gather3A_1078, %gather3A_1079, %gather3A_1080] : memref<2x128x2x128xf32, #tpu.memory_space<vmem>> -> memref<1x128x2x128xf32, #tpu.memory_space<vmem>>
    %gather3A_1082 = tpu.memref_squeeze %gather3A_1081 : memref<1x128x2x128xf32, #tpu.memory_space<vmem>> -> memref<128x2x128xf32, #tpu.memory_space<vmem>>
    %gather3A_1083 = tpu.vector_load_idx %gather3A_1082[%add3A_1069, %add3A_4, %and3A_1066] : memref<128x2x128xf32, #tpu.memory_space<vmem>>[vector<16xi32>, vector<16xi32>, vector<16xi32>], vector<16xf32>,
    %swap3A_1084 = arith.constant 2 : i32
    %swap3A_1085 = arith.constant 0 : i32
    %swap3A_1086 = arith.index_cast %swap3A_1084 : i32 to index
    %swap3A_1087 = arith.index_cast %swap3A_1085 : i32 to index
    %swap3A_1088 = arith.constant 16 : index
    %swap3A_1089 = tpu.vector_load %arg8[%swap3A_1086, %swap3A_1087, %swap3A_1088] {strides = array<i32>} : memref<4x2x128xf32, #tpu.memory_space<vmem>>, vector<16xf32>,
    tpu.vector_store %arg8[%swap3A_1086, %swap3A_1087, %swap3A_1088], %gather3A_1076 {strides = array<i32>} : memref<4x2x128xf32, #tpu.memory_space<vmem>>, vector<16xf32>,
    %swap3A_1090 = arith.constant 2 : i32
    %swap3A_1091 = arith.constant 1 : i32
    %swap3A_1092 = arith.index_cast %swap3A_1090 : i32 to index
    %swap3A_1093 = arith.index_cast %swap3A_1091 : i32 to index
    %swap3A_1094 = arith.constant 16 : index
    %swap3A_1095 = tpu.vector_load %arg8[%swap3A_1092, %swap3A_1093, %swap3A_1094] {strides = array<i32>} : memref<4x2x128xf32, #tpu.memory_space<vmem>>, vector<16xf32>,
    tpu.vector_store %arg8[%swap3A_1092, %swap3A_1093, %swap3A_1094], %gather3A_1083 {strides = array<i32>} : memref<4x2x128xf32, #tpu.memory_space<vmem>>, vector<16xf32>,
    %get3A_1096 = arith.constant 2 : i32
    %get3A_1097 = arith.index_cast %get3A_1096 : i32 to index
    %get3A_1098 = arith.constant 32 : index
    %get3A_1099 = tpu.vector_load %arg5[%get3A_1097, %get3A_1098] {strides = array<i32>} : memref<4x128xi32, #tpu.memory_space<vmem>>, vector<16xi32>,
    %and3A_1100 = arith.constant 127 : i32
    %and3A_1101 = vector.broadcast %and3A_1100 : i32 to vector<16xi32>
    %and3A_1102 = arith.andi %get3A_1099, %and3A_1101 : vector<16xi32>
    %add3A_1103 = arith.constant 32 : i32
    %add3A_1104 = vector.broadcast %add3A_1103 : i32 to vector<16xi32>
    %add3A_1105 = arith.addi %iota3A, %add3A_1104 : vector<16xi32>
    %gather3A_1106 = arith.constant 0 : i32
    %gather3A_1107 = arith.constant 0 : i32
    %gather3A_1108 = arith.constant 0 : i32
    %gather3A_1109 = arith.constant 0 : i32
    %gather3A_1110 = tpu.memref_slice %arg7[%gather3A_1106, %gather3A_1107, %gather3A_1108, %gather3A_1109] : memref<2x128x2x128xf32, #tpu.memory_space<vmem>> -> memref<1x128x2x128xf32, #tpu.memory_space<vmem>>
    %gather3A_1111 = tpu.memref_squeeze %gather3A_1110 : memref<1x128x2x128xf32, #tpu.memory_space<vmem>> -> memref<128x2x128xf32, #tpu.memory_space<vmem>>
    %gather3A_1112 = tpu.vector_load_idx %gather3A_1111[%add3A_1105, %broadcast_in_dim3A_1, %and3A_1102] : memref<128x2x128xf32, #tpu.memory_space<vmem>>[vector<16xi32>, vector<16xi32>, vector<16xi32>], vector<16xf32>,
    %gather3A_1113 = arith.constant 0 : i32
    %gather3A_1114 = arith.constant 0 : i32
    %gather3A_1115 = arith.constant 0 : i32
    %gather3A_1116 = arith.constant 0 : i32
    %gather3A_1117 = tpu.memref_slice %arg7[%gather3A_1113, %gather3A_1114, %gather3A_1115, %gather3A_1116] : memref<2x128x2x128xf32, #tpu.memory_space<vmem>> -> memref<1x128x2x128xf32, #tpu.memory_space<vmem>>
    %gather3A_1118 = tpu.memref_squeeze %gather3A_1117 : memref<1x128x2x128xf32, #tpu.memory_space<vmem>> -> memref<128x2x128xf32, #tpu.memory_space<vmem>>
    %gather3A_1119 = tpu.vector_load_idx %gather3A_1118[%add3A_1105, %add3A_4, %and3A_1102] : memref<128x2x128xf32, #tpu.memory_space<vmem>>[vector<16xi32>, vector<16xi32>, vector<16xi32>], vector<16xf32>,
    %swap3A_1120 = arith.constant 2 : i32
    %swap3A_1121 = arith.constant 0 : i32
    %swap3A_1122 = arith.index_cast %swap3A_1120 : i32 to index
    %swap3A_1123 = arith.index_cast %swap3A_1121 : i32 to index
    %swap3A_1124 = arith.constant 32 : index
    %swap3A_1125 = tpu.vector_load %arg8[%swap3A_1122, %swap3A_1123, %swap3A_1124] {strides = array<i32>} : memref<4x2x128xf32, #tpu.memory_space<vmem>>, vector<16xf32>,
    tpu.vector_store %arg8[%swap3A_1122, %swap3A_1123, %swap3A_1124], %gather3A_1112 {strides = array<i32>} : memref<4x2x128xf32, #tpu.memory_space<vmem>>, vector<16xf32>,
    %swap3A_1126 = arith.constant 2 : i32
    %swap3A_1127 = arith.constant 1 : i32
    %swap3A_1128 = arith.index_cast %swap3A_1126 : i32 to index
    %swap3A_1129 = arith.index_cast %swap3A_1127 : i32 to index
    %swap3A_1130 = arith.constant 32 : index
    %swap3A_1131 = tpu.vector_load %arg8[%swap3A_1128, %swap3A_1129, %swap3A_1130] {strides = array<i32>} : memref<4x2x128xf32, #tpu.memory_space<vmem>>, vector<16xf32>,
    tpu.vector_store %arg8[%swap3A_1128, %swap3A_1129, %swap3A_1130], %gather3A_1119 {strides = array<i32>} : memref<4x2x128xf32, #tpu.memory_space<vmem>>, vector<16xf32>,
    %get3A_1132 = arith.constant 2 : i32
    %get3A_1133 = arith.index_cast %get3A_1132 : i32 to index
    %get3A_1134 = arith.constant 48 : index
    %get3A_1135 = tpu.vector_load %arg5[%get3A_1133, %get3A_1134] {strides = array<i32>} : memref<4x128xi32, #tpu.memory_space<vmem>>, vector<16xi32>,
    %and3A_1136 = arith.constant 127 : i32
    %and3A_1137 = vector.broadcast %and3A_1136 : i32 to vector<16xi32>
    %and3A_1138 = arith.andi %get3A_1135, %and3A_1137 : vector<16xi32>
    %add3A_1139 = arith.constant 48 : i32
    %add3A_1140 = vector.broadcast %add3A_1139 : i32 to vector<16xi32>
    %add3A_1141 = arith.addi %iota3A, %add3A_1140 : vector<16xi32>
    %gather3A_1142 = arith.constant 0 : i32
    %gather3A_1143 = arith.constant 0 : i32
    %gather3A_1144 = arith.constant 0 : i32
    %gather3A_1145 = arith.constant 0 : i32
    %gather3A_1146 = tpu.memref_slice %arg7[%gather3A_1142, %gather3A_1143, %gather3A_1144, %gather3A_1145] : memref<2x128x2x128xf32, #tpu.memory_space<vmem>> -> memref<1x128x2x128xf32, #tpu.memory_space<vmem>>
    %gather3A_1147 = tpu.memref_squeeze %gather3A_1146 : memref<1x128x2x128xf32, #tpu.memory_space<vmem>> -> memref<128x2x128xf32, #tpu.memory_space<vmem>>
    %gather3A_1148 = tpu.vector_load_idx %gather3A_1147[%add3A_1141, %broadcast_in_dim3A_1, %and3A_1138] : memref<128x2x128xf32, #tpu.memory_space<vmem>>[vector<16xi32>, vector<16xi32>, vector<16xi32>], vector<16xf32>,
    %gather3A_1149 = arith.constant 0 : i32
    %gather3A_1150 = arith.constant 0 : i32
    %gather3A_1151 = arith.constant 0 : i32
    %gather3A_1152 = arith.constant 0 : i32
    %gather3A_1153 = tpu.memref_slice %arg7[%gather3A_1149, %gather3A_1150, %gather3A_1151, %gather3A_1152] : memref<2x128x2x128xf32, #tpu.memory_space<vmem>> -> memref<1x128x2x128xf32, #tpu.memory_space<vmem>>
    %gather3A_1154 = tpu.memref_squeeze %gather3A_1153 : memref<1x128x2x128xf32, #tpu.memory_space<vmem>> -> memref<128x2x128xf32, #tpu.memory_space<vmem>>
    %gather3A_1155 = tpu.vector_load_idx %gather3A_1154[%add3A_1141, %add3A_4, %and3A_1138] : memref<128x2x128xf32, #tpu.memory_space<vmem>>[vector<16xi32>, vector<16xi32>, vector<16xi32>], vector<16xf32>,
    %swap3A_1156 = arith.constant 2 : i32
    %swap3A_1157 = arith.constant 0 : i32
    %swap3A_1158 = arith.index_cast %swap3A_1156 : i32 to index
    %swap3A_1159 = arith.index_cast %swap3A_1157 : i32 to index
    %swap3A_1160 = arith.constant 48 : index
    %swap3A_1161 = tpu.vector_load %arg8[%swap3A_1158, %swap3A_1159, %swap3A_1160] {strides = array<i32>} : memref<4x2x128xf32, #tpu.memory_space<vmem>>, vector<16xf32>,
    tpu.vector_store %arg8[%swap3A_1158, %swap3A_1159, %swap3A_1160], %gather3A_1148 {strides = array<i32>} : memref<4x2x128xf32, #tpu.memory_space<vmem>>, vector<16xf32>,
    %swap3A_1162 = arith.constant 2 : i32
    %swap3A_1163 = arith.constant 1 : i32
    %swap3A_1164 = arith.index_cast %swap3A_1162 : i32 to index
    %swap3A_1165 = arith.index_cast %swap3A_1163 : i32 to index
    %swap3A_1166 = arith.constant 48 : index
    %swap3A_1167 = tpu.vector_load %arg8[%swap3A_1164, %swap3A_1165, %swap3A_1166] {strides = array<i32>} : memref<4x2x128xf32, #tpu.memory_space<vmem>>, vector<16xf32>,
    tpu.vector_store %arg8[%swap3A_1164, %swap3A_1165, %swap3A_1166], %gather3A_1155 {strides = array<i32>} : memref<4x2x128xf32, #tpu.memory_space<vmem>>, vector<16xf32>,
    %get3A_1168 = arith.constant 2 : i32
    %get3A_1169 = arith.index_cast %get3A_1168 : i32 to index
    %get3A_1170 = arith.constant 64 : index
    %get3A_1171 = tpu.vector_load %arg5[%get3A_1169, %get3A_1170] {strides = array<i32>} : memref<4x128xi32, #tpu.memory_space<vmem>>, vector<16xi32>,
    %and3A_1172 = arith.constant 127 : i32
    %and3A_1173 = vector.broadcast %and3A_1172 : i32 to vector<16xi32>
    %and3A_1174 = arith.andi %get3A_1171, %and3A_1173 : vector<16xi32>
    %add3A_1175 = arith.constant 64 : i32
    %add3A_1176 = vector.broadcast %add3A_1175 : i32 to vector<16xi32>
    %add3A_1177 = arith.addi %iota3A, %add3A_1176 : vector<16xi32>
    %gather3A_1178 = arith.constant 0 : i32
    %gather3A_1179 = arith.constant 0 : i32
    %gather3A_1180 = arith.constant 0 : i32
    %gather3A_1181 = arith.constant 0 : i32
    %gather3A_1182 = tpu.memref_slice %arg7[%gather3A_1178, %gather3A_1179, %gather3A_1180, %gather3A_1181] : memref<2x128x2x128xf32, #tpu.memory_space<vmem>> -> memref<1x128x2x128xf32, #tpu.memory_space<vmem>>
    %gather3A_1183 = tpu.memref_squeeze %gather3A_1182 : memref<1x128x2x128xf32, #tpu.memory_space<vmem>> -> memref<128x2x128xf32, #tpu.memory_space<vmem>>
    %gather3A_1184 = tpu.vector_load_idx %gather3A_1183[%add3A_1177, %broadcast_in_dim3A_1, %and3A_1174] : memref<128x2x128xf32, #tpu.memory_space<vmem>>[vector<16xi32>, vector<16xi32>, vector<16xi32>], vector<16xf32>,
    %gather3A_1185 = arith.constant 0 : i32
    %gather3A_1186 = arith.constant 0 : i32
    %gather3A_1187 = arith.constant 0 : i32
    %gather3A_1188 = arith.constant 0 : i32
    %gather3A_1189 = tpu.memref_slice %arg7[%gather3A_1185, %gather3A_1186, %gather3A_1187, %gather3A_1188] : memref<2x128x2x128xf32, #tpu.memory_space<vmem>> -> memref<1x128x2x128xf32, #tpu.memory_space<vmem>>
    %gather3A_1190 = tpu.memref_squeeze %gather3A_1189 : memref<1x128x2x128xf32, #tpu.memory_space<vmem>> -> memref<128x2x128xf32, #tpu.memory_space<vmem>>
    %gather3A_1191 = tpu.vector_load_idx %gather3A_1190[%add3A_1177, %add3A_4, %and3A_1174] : memref<128x2x128xf32, #tpu.memory_space<vmem>>[vector<16xi32>, vector<16xi32>, vector<16xi32>], vector<16xf32>,
    %swap3A_1192 = arith.constant 2 : i32
    %swap3A_1193 = arith.constant 0 : i32
    %swap3A_1194 = arith.index_cast %swap3A_1192 : i32 to index
    %swap3A_1195 = arith.index_cast %swap3A_1193 : i32 to index
    %swap3A_1196 = arith.constant 64 : index
    %swap3A_1197 = tpu.vector_load %arg8[%swap3A_1194, %swap3A_1195, %swap3A_1196] {strides = array<i32>} : memref<4x2x128xf32, #tpu.memory_space<vmem>>, vector<16xf32>,
    tpu.vector_store %arg8[%swap3A_1194, %swap3A_1195, %swap3A_1196], %gather3A_1184 {strides = array<i32>} : memref<4x2x128xf32, #tpu.memory_space<vmem>>, vector<16xf32>,
    %swap3A_1198 = arith.constant 2 : i32
    %swap3A_1199 = arith.constant 1 : i32
    %swap3A_1200 = arith.index_cast %swap3A_1198 : i32 to index
    %swap3A_1201 = arith.index_cast %swap3A_1199 : i32 to index
    %swap3A_1202 = arith.constant 64 : index
    %swap3A_1203 = tpu.vector_load %arg8[%swap3A_1200, %swap3A_1201, %swap3A_1202] {strides = array<i32>} : memref<4x2x128xf32, #tpu.memory_space<vmem>>, vector<16xf32>,
    tpu.vector_store %arg8[%swap3A_1200, %swap3A_1201, %swap3A_1202], %gather3A_1191 {strides = array<i32>} : memref<4x2x128xf32, #tpu.memory_space<vmem>>, vector<16xf32>,
    %get3A_1204 = arith.constant 2 : i32
    %get3A_1205 = arith.index_cast %get3A_1204 : i32 to index
    %get3A_1206 = arith.constant 80 : index
    %get3A_1207 = tpu.vector_load %arg5[%get3A_1205, %get3A_1206] {strides = array<i32>} : memref<4x128xi32, #tpu.memory_space<vmem>>, vector<16xi32>,
    %and3A_1208 = arith.constant 127 : i32
    %and3A_1209 = vector.broadcast %and3A_1208 : i32 to vector<16xi32>
    %and3A_1210 = arith.andi %get3A_1207, %and3A_1209 : vector<16xi32>
    %add3A_1211 = arith.constant 80 : i32
    %add3A_1212 = vector.broadcast %add3A_1211 : i32 to vector<16xi32>
    %add3A_1213 = arith.addi %iota3A, %add3A_1212 : vector<16xi32>
    %gather3A_1214 = arith.constant 0 : i32
    %gather3A_1215 = arith.constant 0 : i32
    %gather3A_1216 = arith.constant 0 : i32
    %gather3A_1217 = arith.constant 0 : i32
    %gather3A_1218 = tpu.memref_slice %arg7[%gather3A_1214, %gather3A_1215, %gather3A_1216, %gather3A_1217] : memref<2x128x2x128xf32, #tpu.memory_space<vmem>> -> memref<1x128x2x128xf32, #tpu.memory_space<vmem>>
    %gather3A_1219 = tpu.memref_squeeze %gather3A_1218 : memref<1x128x2x128xf32, #tpu.memory_space<vmem>> -> memref<128x2x128xf32, #tpu.memory_space<vmem>>
    %gather3A_1220 = tpu.vector_load_idx %gather3A_1219[%add3A_1213, %broadcast_in_dim3A_1, %and3A_1210] : memref<128x2x128xf32, #tpu.memory_space<vmem>>[vector<16xi32>, vector<16xi32>, vector<16xi32>], vector<16xf32>,
    %gather3A_1221 = arith.constant 0 : i32
    %gather3A_1222 = arith.constant 0 : i32
    %gather3A_1223 = arith.constant 0 : i32
    %gather3A_1224 = arith.constant 0 : i32
    %gather3A_1225 = tpu.memref_slice %arg7[%gather3A_1221, %gather3A_1222, %gather3A_1223, %gather3A_1224] : memref<2x128x2x128xf32, #tpu.memory_space<vmem>> -> memref<1x128x2x128xf32, #tpu.memory_space<vmem>>
    %gather3A_1226 = tpu.memref_squeeze %gather3A_1225 : memref<1x128x2x128xf32, #tpu.memory_space<vmem>> -> memref<128x2x128xf32, #tpu.memory_space<vmem>>
    %gather3A_1227 = tpu.vector_load_idx %gather3A_1226[%add3A_1213, %add3A_4, %and3A_1210] : memref<128x2x128xf32, #tpu.memory_space<vmem>>[vector<16xi32>, vector<16xi32>, vector<16xi32>], vector<16xf32>,
    %swap3A_1228 = arith.constant 2 : i32
    %swap3A_1229 = arith.constant 0 : i32
    %swap3A_1230 = arith.index_cast %swap3A_1228 : i32 to index
    %swap3A_1231 = arith.index_cast %swap3A_1229 : i32 to index
    %swap3A_1232 = arith.constant 80 : index
    %swap3A_1233 = tpu.vector_load %arg8[%swap3A_1230, %swap3A_1231, %swap3A_1232] {strides = array<i32>} : memref<4x2x128xf32, #tpu.memory_space<vmem>>, vector<16xf32>,
    tpu.vector_store %arg8[%swap3A_1230, %swap3A_1231, %swap3A_1232], %gather3A_1220 {strides = array<i32>} : memref<4x2x128xf32, #tpu.memory_space<vmem>>, vector<16xf32>,
    %swap3A_1234 = arith.constant 2 : i32
    %swap3A_1235 = arith.constant 1 : i32
    %swap3A_1236 = arith.index_cast %swap3A_1234 : i32 to index
    %swap3A_1237 = arith.index_cast %swap3A_1235 : i32 to index
    %swap3A_1238 = arith.constant 80 : index
    %swap3A_1239 = tpu.vector_load %arg8[%swap3A_1236, %swap3A_1237, %swap3A_1238] {strides = array<i32>} : memref<4x2x128xf32, #tpu.memory_space<vmem>>, vector<16xf32>,
    tpu.vector_store %arg8[%swap3A_1236, %swap3A_1237, %swap3A_1238], %gather3A_1227 {strides = array<i32>} : memref<4x2x128xf32, #tpu.memory_space<vmem>>, vector<16xf32>,
    %get3A_1240 = arith.constant 2 : i32
    %get3A_1241 = arith.index_cast %get3A_1240 : i32 to index
    %get3A_1242 = arith.constant 96 : index
    %get3A_1243 = tpu.vector_load %arg5[%get3A_1241, %get3A_1242] {strides = array<i32>} : memref<4x128xi32, #tpu.memory_space<vmem>>, vector<16xi32>,
    %and3A_1244 = arith.constant 127 : i32
    %and3A_1245 = vector.broadcast %and3A_1244 : i32 to vector<16xi32>
    %and3A_1246 = arith.andi %get3A_1243, %and3A_1245 : vector<16xi32>
    %add3A_1247 = arith.constant 96 : i32
    %add3A_1248 = vector.broadcast %add3A_1247 : i32 to vector<16xi32>
    %add3A_1249 = arith.addi %iota3A, %add3A_1248 : vector<16xi32>
    %gather3A_1250 = arith.constant 0 : i32
    %gather3A_1251 = arith.constant 0 : i32
    %gather3A_1252 = arith.constant 0 : i32
    %gather3A_1253 = arith.constant 0 : i32
    %gather3A_1254 = tpu.memref_slice %arg7[%gather3A_1250, %gather3A_1251, %gather3A_1252, %gather3A_1253] : memref<2x128x2x128xf32, #tpu.memory_space<vmem>> -> memref<1x128x2x128xf32, #tpu.memory_space<vmem>>
    %gather3A_1255 = tpu.memref_squeeze %gather3A_1254 : memref<1x128x2x128xf32, #tpu.memory_space<vmem>> -> memref<128x2x128xf32, #tpu.memory_space<vmem>>
    %gather3A_1256 = tpu.vector_load_idx %gather3A_1255[%add3A_1249, %broadcast_in_dim3A_1, %and3A_1246] : memref<128x2x128xf32, #tpu.memory_space<vmem>>[vector<16xi32>, vector<16xi32>, vector<16xi32>], vector<16xf32>,
    %gather3A_1257 = arith.constant 0 : i32
    %gather3A_1258 = arith.constant 0 : i32
    %gather3A_1259 = arith.constant 0 : i32
    %gather3A_1260 = arith.constant 0 : i32
    %gather3A_1261 = tpu.memref_slice %arg7[%gather3A_1257, %gather3A_1258, %gather3A_1259, %gather3A_1260] : memref<2x128x2x128xf32, #tpu.memory_space<vmem>> -> memref<1x128x2x128xf32, #tpu.memory_space<vmem>>
    %gather3A_1262 = tpu.memref_squeeze %gather3A_1261 : memref<1x128x2x128xf32, #tpu.memory_space<vmem>> -> memref<128x2x128xf32, #tpu.memory_space<vmem>>
    %gather3A_1263 = tpu.vector_load_idx %gather3A_1262[%add3A_1249, %add3A_4, %and3A_1246] : memref<128x2x128xf32, #tpu.memory_space<vmem>>[vector<16xi32>, vector<16xi32>, vector<16xi32>], vector<16xf32>,
    %swap3A_1264 = arith.constant 2 : i32
    %swap3A_1265 = arith.constant 0 : i32
    %swap3A_1266 = arith.index_cast %swap3A_1264 : i32 to index
    %swap3A_1267 = arith.index_cast %swap3A_1265 : i32 to index
    %swap3A_1268 = arith.constant 96 : index
    %swap3A_1269 = tpu.vector_load %arg8[%swap3A_1266, %swap3A_1267, %swap3A_1268] {strides = array<i32>} : memref<4x2x128xf32, #tpu.memory_space<vmem>>, vector<16xf32>,
    tpu.vector_store %arg8[%swap3A_1266, %swap3A_1267, %swap3A_1268], %gather3A_1256 {strides = array<i32>} : memref<4x2x128xf32, #tpu.memory_space<vmem>>, vector<16xf32>,
    %swap3A_1270 = arith.constant 2 : i32
    %swap3A_1271 = arith.constant 1 : i32
    %swap3A_1272 = arith.index_cast %swap3A_1270 : i32 to index
    %swap3A_1273 = arith.index_cast %swap3A_1271 : i32 to index
    %swap3A_1274 = arith.constant 96 : index
    %swap3A_1275 = tpu.vector_load %arg8[%swap3A_1272, %swap3A_1273, %swap3A_1274] {strides = array<i32>} : memref<4x2x128xf32, #tpu.memory_space<vmem>>, vector<16xf32>,
    tpu.vector_store %arg8[%swap3A_1272, %swap3A_1273, %swap3A_1274], %gather3A_1263 {strides = array<i32>} : memref<4x2x128xf32, #tpu.memory_space<vmem>>, vector<16xf32>,
    %get3A_1276 = arith.constant 2 : i32
    %get3A_1277 = arith.index_cast %get3A_1276 : i32 to index
    %get3A_1278 = arith.constant 112 : index
    %get3A_1279 = tpu.vector_load %arg5[%get3A_1277, %get3A_1278] {strides = array<i32>} : memref<4x128xi32, #tpu.memory_space<vmem>>, vector<16xi32>,
    %and3A_1280 = arith.constant 127 : i32
    %and3A_1281 = vector.broadcast %and3A_1280 : i32 to vector<16xi32>
    %and3A_1282 = arith.andi %get3A_1279, %and3A_1281 : vector<16xi32>
    %add3A_1283 = arith.constant 112 : i32
    %add3A_1284 = vector.broadcast %add3A_1283 : i32 to vector<16xi32>
    %add3A_1285 = arith.addi %iota3A, %add3A_1284 : vector<16xi32>
    %gather3A_1286 = arith.constant 0 : i32
    %gather3A_1287 = arith.constant 0 : i32
    %gather3A_1288 = arith.constant 0 : i32
    %gather3A_1289 = arith.constant 0 : i32
    %gather3A_1290 = tpu.memref_slice %arg7[%gather3A_1286, %gather3A_1287, %gather3A_1288, %gather3A_1289] : memref<2x128x2x128xf32, #tpu.memory_space<vmem>> -> memref<1x128x2x128xf32, #tpu.memory_space<vmem>>
    %gather3A_1291 = tpu.memref_squeeze %gather3A_1290 : memref<1x128x2x128xf32, #tpu.memory_space<vmem>> -> memref<128x2x128xf32, #tpu.memory_space<vmem>>
    %gather3A_1292 = tpu.vector_load_idx %gather3A_1291[%add3A_1285, %broadcast_in_dim3A_1, %and3A_1282] : memref<128x2x128xf32, #tpu.memory_space<vmem>>[vector<16xi32>, vector<16xi32>, vector<16xi32>], vector<16xf32>,
    %gather3A_1293 = arith.constant 0 : i32
    %gather3A_1294 = arith.constant 0 : i32
    %gather3A_1295 = arith.constant 0 : i32
    %gather3A_1296 = arith.constant 0 : i32
    %gather3A_1297 = tpu.memref_slice %arg7[%gather3A_1293, %gather3A_1294, %gather3A_1295, %gather3A_1296] : memref<2x128x2x128xf32, #tpu.memory_space<vmem>> -> memref<1x128x2x128xf32, #tpu.memory_space<vmem>>
    %gather3A_1298 = tpu.memref_squeeze %gather3A_1297 : memref<1x128x2x128xf32, #tpu.memory_space<vmem>> -> memref<128x2x128xf32, #tpu.memory_space<vmem>>
    %gather3A_1299 = tpu.vector_load_idx %gather3A_1298[%add3A_1285, %add3A_4, %and3A_1282] : memref<128x2x128xf32, #tpu.memory_space<vmem>>[vector<16xi32>, vector<16xi32>, vector<16xi32>], vector<16xf32>,
    %swap3A_1300 = arith.constant 2 : i32
    %swap3A_1301 = arith.constant 0 : i32
    %swap3A_1302 = arith.index_cast %swap3A_1300 : i32 to index
    %swap3A_1303 = arith.index_cast %swap3A_1301 : i32 to index
    %swap3A_1304 = arith.constant 112 : index
    %swap3A_1305 = tpu.vector_load %arg8[%swap3A_1302, %swap3A_1303, %swap3A_1304] {strides = array<i32>} : memref<4x2x128xf32, #tpu.memory_space<vmem>>, vector<16xf32>,
    tpu.vector_store %arg8[%swap3A_1302, %swap3A_1303, %swap3A_1304], %gather3A_1292 {strides = array<i32>} : memref<4x2x128xf32, #tpu.memory_space<vmem>>, vector<16xf32>,
    %swap3A_1306 = arith.constant 2 : i32
    %swap3A_1307 = arith.constant 1 : i32
    %swap3A_1308 = arith.index_cast %swap3A_1306 : i32 to index
    %swap3A_1309 = arith.index_cast %swap3A_1307 : i32 to index
    %swap3A_1310 = arith.constant 112 : index
    %swap3A_1311 = tpu.vector_load %arg8[%swap3A_1308, %swap3A_1309, %swap3A_1310] {strides = array<i32>} : memref<4x2x128xf32, #tpu.memory_space<vmem>>, vector<16xf32>,
    tpu.vector_store %arg8[%swap3A_1308, %swap3A_1309, %swap3A_1310], %gather3A_1299 {strides = array<i32>} : memref<4x2x128xf32, #tpu.memory_space<vmem>>, vector<16xf32>,
    %dma_wait3A_1312 = arith.constant 3 : i32
    %dma_wait3A_1313 = arith.constant 1 : i32
    %dma_wait3A_1314 = arith.constant 0 : i32
    %dma_wait3A_1315 = arith.constant 0 : i32
    %dma_wait3A_1316 = arith.constant 0 : i32
    %dma_wait3A_1317 = tpu.memref_slice %arg7[%dma_wait3A_1313, %dma_wait3A_1314, %dma_wait3A_1315, %dma_wait3A_1316] : memref<2x128x2x128xf32, #tpu.memory_space<vmem>> -> memref<1x128x2x128xf32, #tpu.memory_space<vmem>>
    %dma_wait3A_1318 = tpu.memref_squeeze %dma_wait3A_1317 : memref<1x128x2x128xf32, #tpu.memory_space<vmem>> -> memref<128x2x128xf32, #tpu.memory_space<vmem>>
    %dma_wait3A_1319 = arith.constant 0 : i32
    %dma_wait3A_1320 = tpu.memref_slice %arg6[%dma_wait3A_1312, %dma_wait3A_1319] : memref<4x128xi32, #tpu.memory_space<vmem>> -> memref<1x128xi32, #tpu.memory_space<vmem>>
    %dma_wait3A_1321 = tpu.memref_squeeze %dma_wait3A_1320 : memref<1x128xi32, #tpu.memory_space<vmem>> -> memref<128xi32, #tpu.memory_space<vmem>>
    %dma_wait3A_1322 = arith.constant 0 : i32
    %dma_wait3A_1323 = arith.constant 0 : i32
    %dma_wait3A_1324 = arith.constant 0 : i32
    %dma_wait3A_1325 = tpu.memref_slice %arg3[%dma_wait3A_1322, %dma_wait3A_1323, %dma_wait3A_1324] : memref<7936x2x128xf32, #tpu.memory_space<hbm>> -> memref<7936x2x128xf32, #tpu.memory_space<hbm>>
    tpu.wait_indirect_dma semaphore(%arg10 : memref<!tpu.dma_semaphore, #tpu.memory_space<semaphore_mem>>) src(%dma_wait3A_1325 : memref<7936x2x128xf32, #tpu.memory_space<hbm>>) dst(%dma_wait3A_1318 : memref<128x2x128xf32, #tpu.memory_space<vmem>>)
    %get3A_1326 = arith.constant 3 : i32
    %get3A_1327 = arith.index_cast %get3A_1326 : i32 to index
    %get3A_1328 = arith.constant 0 : index
    %get3A_1329 = tpu.vector_load %arg5[%get3A_1327, %get3A_1328] {strides = array<i32>} : memref<4x128xi32, #tpu.memory_space<vmem>>, vector<16xi32>,
    %and3A_1330 = arith.constant 127 : i32
    %and3A_1331 = vector.broadcast %and3A_1330 : i32 to vector<16xi32>
    %and3A_1332 = arith.andi %get3A_1329, %and3A_1331 : vector<16xi32>
    %add3A_1333 = arith.constant 0 : i32
    %add3A_1334 = vector.broadcast %add3A_1333 : i32 to vector<16xi32>
    %add3A_1335 = arith.addi %iota3A, %add3A_1334 : vector<16xi32>
    %gather3A_1336 = arith.constant 1 : i32
    %gather3A_1337 = arith.constant 0 : i32
    %gather3A_1338 = arith.constant 0 : i32
    %gather3A_1339 = arith.constant 0 : i32
    %gather3A_1340 = tpu.memref_slice %arg7[%gather3A_1336, %gather3A_1337, %gather3A_1338, %gather3A_1339] : memref<2x128x2x128xf32, #tpu.memory_space<vmem>> -> memref<1x128x2x128xf32, #tpu.memory_space<vmem>>
    %gather3A_1341 = tpu.memref_squeeze %gather3A_1340 : memref<1x128x2x128xf32, #tpu.memory_space<vmem>> -> memref<128x2x128xf32, #tpu.memory_space<vmem>>
    %gather3A_1342 = tpu.vector_load_idx %gather3A_1341[%add3A_1335, %broadcast_in_dim3A_1, %and3A_1332] : memref<128x2x128xf32, #tpu.memory_space<vmem>>[vector<16xi32>, vector<16xi32>, vector<16xi32>], vector<16xf32>,
    %gather3A_1343 = arith.constant 1 : i32
    %gather3A_1344 = arith.constant 0 : i32
    %gather3A_1345 = arith.constant 0 : i32
    %gather3A_1346 = arith.constant 0 : i32
    %gather3A_1347 = tpu.memref_slice %arg7[%gather3A_1343, %gather3A_1344, %gather3A_1345, %gather3A_1346] : memref<2x128x2x128xf32, #tpu.memory_space<vmem>> -> memref<1x128x2x128xf32, #tpu.memory_space<vmem>>
    %gather3A_1348 = tpu.memref_squeeze %gather3A_1347 : memref<1x128x2x128xf32, #tpu.memory_space<vmem>> -> memref<128x2x128xf32, #tpu.memory_space<vmem>>
    %gather3A_1349 = tpu.vector_load_idx %gather3A_1348[%add3A_1335, %add3A_4, %and3A_1332] : memref<128x2x128xf32, #tpu.memory_space<vmem>>[vector<16xi32>, vector<16xi32>, vector<16xi32>], vector<16xf32>,
    %swap3A_1350 = arith.constant 3 : i32
    %swap3A_1351 = arith.constant 0 : i32
    %swap3A_1352 = arith.index_cast %swap3A_1350 : i32 to index
    %swap3A_1353 = arith.index_cast %swap3A_1351 : i32 to index
    %swap3A_1354 = arith.constant 0 : index
    %swap3A_1355 = tpu.vector_load %arg8[%swap3A_1352, %swap3A_1353, %swap3A_1354] {strides = array<i32>} : memref<4x2x128xf32, #tpu.memory_space<vmem>>, vector<16xf32>,
    tpu.vector_store %arg8[%swap3A_1352, %swap3A_1353, %swap3A_1354], %gather3A_1342 {strides = array<i32>} : memref<4x2x128xf32, #tpu.memory_space<vmem>>, vector<16xf32>,
    %swap3A_1356 = arith.constant 3 : i32
    %swap3A_1357 = arith.constant 1 : i32
    %swap3A_1358 = arith.index_cast %swap3A_1356 : i32 to index
    %swap3A_1359 = arith.index_cast %swap3A_1357 : i32 to index
    %swap3A_1360 = arith.constant 0 : index
    %swap3A_1361 = tpu.vector_load %arg8[%swap3A_1358, %swap3A_1359, %swap3A_1360] {strides = array<i32>} : memref<4x2x128xf32, #tpu.memory_space<vmem>>, vector<16xf32>,
    tpu.vector_store %arg8[%swap3A_1358, %swap3A_1359, %swap3A_1360], %gather3A_1349 {strides = array<i32>} : memref<4x2x128xf32, #tpu.memory_space<vmem>>, vector<16xf32>,
    %get3A_1362 = arith.constant 3 : i32
    %get3A_1363 = arith.index_cast %get3A_1362 : i32 to index
    %get3A_1364 = arith.constant 16 : index
    %get3A_1365 = tpu.vector_load %arg5[%get3A_1363, %get3A_1364] {strides = array<i32>} : memref<4x128xi32, #tpu.memory_space<vmem>>, vector<16xi32>,
    %and3A_1366 = arith.constant 127 : i32
    %and3A_1367 = vector.broadcast %and3A_1366 : i32 to vector<16xi32>
    %and3A_1368 = arith.andi %get3A_1365, %and3A_1367 : vector<16xi32>
    %add3A_1369 = arith.constant 16 : i32
    %add3A_1370 = vector.broadcast %add3A_1369 : i32 to vector<16xi32>
    %add3A_1371 = arith.addi %iota3A, %add3A_1370 : vector<16xi32>
    %gather3A_1372 = arith.constant 1 : i32
    %gather3A_1373 = arith.constant 0 : i32
    %gather3A_1374 = arith.constant 0 : i32
    %gather3A_1375 = arith.constant 0 : i32
    %gather3A_1376 = tpu.memref_slice %arg7[%gather3A_1372, %gather3A_1373, %gather3A_1374, %gather3A_1375] : memref<2x128x2x128xf32, #tpu.memory_space<vmem>> -> memref<1x128x2x128xf32, #tpu.memory_space<vmem>>
    %gather3A_1377 = tpu.memref_squeeze %gather3A_1376 : memref<1x128x2x128xf32, #tpu.memory_space<vmem>> -> memref<128x2x128xf32, #tpu.memory_space<vmem>>
    %gather3A_1378 = tpu.vector_load_idx %gather3A_1377[%add3A_1371, %broadcast_in_dim3A_1, %and3A_1368] : memref<128x2x128xf32, #tpu.memory_space<vmem>>[vector<16xi32>, vector<16xi32>, vector<16xi32>], vector<16xf32>,
    %gather3A_1379 = arith.constant 1 : i32
    %gather3A_1380 = arith.constant 0 : i32
    %gather3A_1381 = arith.constant 0 : i32
    %gather3A_1382 = arith.constant 0 : i32
    %gather3A_1383 = tpu.memref_slice %arg7[%gather3A_1379, %gather3A_1380, %gather3A_1381, %gather3A_1382] : memref<2x128x2x128xf32, #tpu.memory_space<vmem>> -> memref<1x128x2x128xf32, #tpu.memory_space<vmem>>
    %gather3A_1384 = tpu.memref_squeeze %gather3A_1383 : memref<1x128x2x128xf32, #tpu.memory_space<vmem>> -> memref<128x2x128xf32, #tpu.memory_space<vmem>>
    %gather3A_1385 = tpu.vector_load_idx %gather3A_1384[%add3A_1371, %add3A_4, %and3A_1368] : memref<128x2x128xf32, #tpu.memory_space<vmem>>[vector<16xi32>, vector<16xi32>, vector<16xi32>], vector<16xf32>,
    %swap3A_1386 = arith.constant 3 : i32
    %swap3A_1387 = arith.constant 0 : i32
    %swap3A_1388 = arith.index_cast %swap3A_1386 : i32 to index
    %swap3A_1389 = arith.index_cast %swap3A_1387 : i32 to index
    %swap3A_1390 = arith.constant 16 : index
    %swap3A_1391 = tpu.vector_load %arg8[%swap3A_1388, %swap3A_1389, %swap3A_1390] {strides = array<i32>} : memref<4x2x128xf32, #tpu.memory_space<vmem>>, vector<16xf32>,
    tpu.vector_store %arg8[%swap3A_1388, %swap3A_1389, %swap3A_1390], %gather3A_1378 {strides = array<i32>} : memref<4x2x128xf32, #tpu.memory_space<vmem>>, vector<16xf32>,
    %swap3A_1392 = arith.constant 3 : i32
    %swap3A_1393 = arith.constant 1 : i32
    %swap3A_1394 = arith.index_cast %swap3A_1392 : i32 to index
    %swap3A_1395 = arith.index_cast %swap3A_1393 : i32 to index
    %swap3A_1396 = arith.constant 16 : index
    %swap3A_1397 = tpu.vector_load %arg8[%swap3A_1394, %swap3A_1395, %swap3A_1396] {strides = array<i32>} : memref<4x2x128xf32, #tpu.memory_space<vmem>>, vector<16xf32>,
    tpu.vector_store %arg8[%swap3A_1394, %swap3A_1395, %swap3A_1396], %gather3A_1385 {strides = array<i32>} : memref<4x2x128xf32, #tpu.memory_space<vmem>>, vector<16xf32>,
    %get3A_1398 = arith.constant 3 : i32
    %get3A_1399 = arith.index_cast %get3A_1398 : i32 to index
    %get3A_1400 = arith.constant 32 : index
    %get3A_1401 = tpu.vector_load %arg5[%get3A_1399, %get3A_1400] {strides = array<i32>} : memref<4x128xi32, #tpu.memory_space<vmem>>, vector<16xi32>,
    %and3A_1402 = arith.constant 127 : i32
    %and3A_1403 = vector.broadcast %and3A_1402 : i32 to vector<16xi32>
    %and3A_1404 = arith.andi %get3A_1401, %and3A_1403 : vector<16xi32>
    %add3A_1405 = arith.constant 32 : i32
    %add3A_1406 = vector.broadcast %add3A_1405 : i32 to vector<16xi32>
    %add3A_1407 = arith.addi %iota3A, %add3A_1406 : vector<16xi32>
    %gather3A_1408 = arith.constant 1 : i32
    %gather3A_1409 = arith.constant 0 : i32
    %gather3A_1410 = arith.constant 0 : i32
    %gather3A_1411 = arith.constant 0 : i32
    %gather3A_1412 = tpu.memref_slice %arg7[%gather3A_1408, %gather3A_1409, %gather3A_1410, %gather3A_1411] : memref<2x128x2x128xf32, #tpu.memory_space<vmem>> -> memref<1x128x2x128xf32, #tpu.memory_space<vmem>>
    %gather3A_1413 = tpu.memref_squeeze %gather3A_1412 : memref<1x128x2x128xf32, #tpu.memory_space<vmem>> -> memref<128x2x128xf32, #tpu.memory_space<vmem>>
    %gather3A_1414 = tpu.vector_load_idx %gather3A_1413[%add3A_1407, %broadcast_in_dim3A_1, %and3A_1404] : memref<128x2x128xf32, #tpu.memory_space<vmem>>[vector<16xi32>, vector<16xi32>, vector<16xi32>], vector<16xf32>,
    %gather3A_1415 = arith.constant 1 : i32
    %gather3A_1416 = arith.constant 0 : i32
    %gather3A_1417 = arith.constant 0 : i32
    %gather3A_1418 = arith.constant 0 : i32
    %gather3A_1419 = tpu.memref_slice %arg7[%gather3A_1415, %gather3A_1416, %gather3A_1417, %gather3A_1418] : memref<2x128x2x128xf32, #tpu.memory_space<vmem>> -> memref<1x128x2x128xf32, #tpu.memory_space<vmem>>
    %gather3A_1420 = tpu.memref_squeeze %gather3A_1419 : memref<1x128x2x128xf32, #tpu.memory_space<vmem>> -> memref<128x2x128xf32, #tpu.memory_space<vmem>>
    %gather3A_1421 = tpu.vector_load_idx %gather3A_1420[%add3A_1407, %add3A_4, %and3A_1404] : memref<128x2x128xf32, #tpu.memory_space<vmem>>[vector<16xi32>, vector<16xi32>, vector<16xi32>], vector<16xf32>,
    %swap3A_1422 = arith.constant 3 : i32
    %swap3A_1423 = arith.constant 0 : i32
    %swap3A_1424 = arith.index_cast %swap3A_1422 : i32 to index
    %swap3A_1425 = arith.index_cast %swap3A_1423 : i32 to index
    %swap3A_1426 = arith.constant 32 : index
    %swap3A_1427 = tpu.vector_load %arg8[%swap3A_1424, %swap3A_1425, %swap3A_1426] {strides = array<i32>} : memref<4x2x128xf32, #tpu.memory_space<vmem>>, vector<16xf32>,
    tpu.vector_store %arg8[%swap3A_1424, %swap3A_1425, %swap3A_1426], %gather3A_1414 {strides = array<i32>} : memref<4x2x128xf32, #tpu.memory_space<vmem>>, vector<16xf32>,
    %swap3A_1428 = arith.constant 3 : i32
    %swap3A_1429 = arith.constant 1 : i32
    %swap3A_1430 = arith.index_cast %swap3A_1428 : i32 to index
    %swap3A_1431 = arith.index_cast %swap3A_1429 : i32 to index
    %swap3A_1432 = arith.constant 32 : index
    %swap3A_1433 = tpu.vector_load %arg8[%swap3A_1430, %swap3A_1431, %swap3A_1432] {strides = array<i32>} : memref<4x2x128xf32, #tpu.memory_space<vmem>>, vector<16xf32>,
    tpu.vector_store %arg8[%swap3A_1430, %swap3A_1431, %swap3A_1432], %gather3A_1421 {strides = array<i32>} : memref<4x2x128xf32, #tpu.memory_space<vmem>>, vector<16xf32>,
    %get3A_1434 = arith.constant 3 : i32
    %get3A_1435 = arith.index_cast %get3A_1434 : i32 to index
    %get3A_1436 = arith.constant 48 : index
    %get3A_1437 = tpu.vector_load %arg5[%get3A_1435, %get3A_1436] {strides = array<i32>} : memref<4x128xi32, #tpu.memory_space<vmem>>, vector<16xi32>,
    %and3A_1438 = arith.constant 127 : i32
    %and3A_1439 = vector.broadcast %and3A_1438 : i32 to vector<16xi32>
    %and3A_1440 = arith.andi %get3A_1437, %and3A_1439 : vector<16xi32>
    %add3A_1441 = arith.constant 48 : i32
    %add3A_1442 = vector.broadcast %add3A_1441 : i32 to vector<16xi32>
    %add3A_1443 = arith.addi %iota3A, %add3A_1442 : vector<16xi32>
    %gather3A_1444 = arith.constant 1 : i32
    %gather3A_1445 = arith.constant 0 : i32
    %gather3A_1446 = arith.constant 0 : i32
    %gather3A_1447 = arith.constant 0 : i32
    %gather3A_1448 = tpu.memref_slice %arg7[%gather3A_1444, %gather3A_1445, %gather3A_1446, %gather3A_1447] : memref<2x128x2x128xf32, #tpu.memory_space<vmem>> -> memref<1x128x2x128xf32, #tpu.memory_space<vmem>>
    %gather3A_1449 = tpu.memref_squeeze %gather3A_1448 : memref<1x128x2x128xf32, #tpu.memory_space<vmem>> -> memref<128x2x128xf32, #tpu.memory_space<vmem>>
    %gather3A_1450 = tpu.vector_load_idx %gather3A_1449[%add3A_1443, %broadcast_in_dim3A_1, %and3A_1440] : memref<128x2x128xf32, #tpu.memory_space<vmem>>[vector<16xi32>, vector<16xi32>, vector<16xi32>], vector<16xf32>,
    %gather3A_1451 = arith.constant 1 : i32
    %gather3A_1452 = arith.constant 0 : i32
    %gather3A_1453 = arith.constant 0 : i32
    %gather3A_1454 = arith.constant 0 : i32
    %gather3A_1455 = tpu.memref_slice %arg7[%gather3A_1451, %gather3A_1452, %gather3A_1453, %gather3A_1454] : memref<2x128x2x128xf32, #tpu.memory_space<vmem>> -> memref<1x128x2x128xf32, #tpu.memory_space<vmem>>
    %gather3A_1456 = tpu.memref_squeeze %gather3A_1455 : memref<1x128x2x128xf32, #tpu.memory_space<vmem>> -> memref<128x2x128xf32, #tpu.memory_space<vmem>>
    %gather3A_1457 = tpu.vector_load_idx %gather3A_1456[%add3A_1443, %add3A_4, %and3A_1440] : memref<128x2x128xf32, #tpu.memory_space<vmem>>[vector<16xi32>, vector<16xi32>, vector<16xi32>], vector<16xf32>,
    %swap3A_1458 = arith.constant 3 : i32
    %swap3A_1459 = arith.constant 0 : i32
    %swap3A_1460 = arith.index_cast %swap3A_1458 : i32 to index
    %swap3A_1461 = arith.index_cast %swap3A_1459 : i32 to index
    %swap3A_1462 = arith.constant 48 : index
    %swap3A_1463 = tpu.vector_load %arg8[%swap3A_1460, %swap3A_1461, %swap3A_1462] {strides = array<i32>} : memref<4x2x128xf32, #tpu.memory_space<vmem>>, vector<16xf32>,
    tpu.vector_store %arg8[%swap3A_1460, %swap3A_1461, %swap3A_1462], %gather3A_1450 {strides = array<i32>} : memref<4x2x128xf32, #tpu.memory_space<vmem>>, vector<16xf32>,
    %swap3A_1464 = arith.constant 3 : i32
    %swap3A_1465 = arith.constant 1 : i32
    %swap3A_1466 = arith.index_cast %swap3A_1464 : i32 to index
    %swap3A_1467 = arith.index_cast %swap3A_1465 : i32 to index
    %swap3A_1468 = arith.constant 48 : index
    %swap3A_1469 = tpu.vector_load %arg8[%swap3A_1466, %swap3A_1467, %swap3A_1468] {strides = array<i32>} : memref<4x2x128xf32, #tpu.memory_space<vmem>>, vector<16xf32>,
    tpu.vector_store %arg8[%swap3A_1466, %swap3A_1467, %swap3A_1468], %gather3A_1457 {strides = array<i32>} : memref<4x2x128xf32, #tpu.memory_space<vmem>>, vector<16xf32>,
    %get3A_1470 = arith.constant 3 : i32
    %get3A_1471 = arith.index_cast %get3A_1470 : i32 to index
    %get3A_1472 = arith.constant 64 : index
    %get3A_1473 = tpu.vector_load %arg5[%get3A_1471, %get3A_1472] {strides = array<i32>} : memref<4x128xi32, #tpu.memory_space<vmem>>, vector<16xi32>,
    %and3A_1474 = arith.constant 127 : i32
    %and3A_1475 = vector.broadcast %and3A_1474 : i32 to vector<16xi32>
    %and3A_1476 = arith.andi %get3A_1473, %and3A_1475 : vector<16xi32>
    %add3A_1477 = arith.constant 64 : i32
    %add3A_1478 = vector.broadcast %add3A_1477 : i32 to vector<16xi32>
    %add3A_1479 = arith.addi %iota3A, %add3A_1478 : vector<16xi32>
    %gather3A_1480 = arith.constant 1 : i32
    %gather3A_1481 = arith.constant 0 : i32
    %gather3A_1482 = arith.constant 0 : i32
    %gather3A_1483 = arith.constant 0 : i32
    %gather3A_1484 = tpu.memref_slice %arg7[%gather3A_1480, %gather3A_1481, %gather3A_1482, %gather3A_1483] : memref<2x128x2x128xf32, #tpu.memory_space<vmem>> -> memref<1x128x2x128xf32, #tpu.memory_space<vmem>>
    %gather3A_1485 = tpu.memref_squeeze %gather3A_1484 : memref<1x128x2x128xf32, #tpu.memory_space<vmem>> -> memref<128x2x128xf32, #tpu.memory_space<vmem>>
    %gather3A_1486 = tpu.vector_load_idx %gather3A_1485[%add3A_1479, %broadcast_in_dim3A_1, %and3A_1476] : memref<128x2x128xf32, #tpu.memory_space<vmem>>[vector<16xi32>, vector<16xi32>, vector<16xi32>], vector<16xf32>,
    %gather3A_1487 = arith.constant 1 : i32
    %gather3A_1488 = arith.constant 0 : i32
    %gather3A_1489 = arith.constant 0 : i32
    %gather3A_1490 = arith.constant 0 : i32
    %gather3A_1491 = tpu.memref_slice %arg7[%gather3A_1487, %gather3A_1488, %gather3A_1489, %gather3A_1490] : memref<2x128x2x128xf32, #tpu.memory_space<vmem>> -> memref<1x128x2x128xf32, #tpu.memory_space<vmem>>
    %gather3A_1492 = tpu.memref_squeeze %gather3A_1491 : memref<1x128x2x128xf32, #tpu.memory_space<vmem>> -> memref<128x2x128xf32, #tpu.memory_space<vmem>>
    %gather3A_1493 = tpu.vector_load_idx %gather3A_1492[%add3A_1479, %add3A_4, %and3A_1476] : memref<128x2x128xf32, #tpu.memory_space<vmem>>[vector<16xi32>, vector<16xi32>, vector<16xi32>], vector<16xf32>,
    %swap3A_1494 = arith.constant 3 : i32
    %swap3A_1495 = arith.constant 0 : i32
    %swap3A_1496 = arith.index_cast %swap3A_1494 : i32 to index
    %swap3A_1497 = arith.index_cast %swap3A_1495 : i32 to index
    %swap3A_1498 = arith.constant 64 : index
    %swap3A_1499 = tpu.vector_load %arg8[%swap3A_1496, %swap3A_1497, %swap3A_1498] {strides = array<i32>} : memref<4x2x128xf32, #tpu.memory_space<vmem>>, vector<16xf32>,
    tpu.vector_store %arg8[%swap3A_1496, %swap3A_1497, %swap3A_1498], %gather3A_1486 {strides = array<i32>} : memref<4x2x128xf32, #tpu.memory_space<vmem>>, vector<16xf32>,
    %swap3A_1500 = arith.constant 3 : i32
    %swap3A_1501 = arith.constant 1 : i32
    %swap3A_1502 = arith.index_cast %swap3A_1500 : i32 to index
    %swap3A_1503 = arith.index_cast %swap3A_1501 : i32 to index
    %swap3A_1504 = arith.constant 64 : index
    %swap3A_1505 = tpu.vector_load %arg8[%swap3A_1502, %swap3A_1503, %swap3A_1504] {strides = array<i32>} : memref<4x2x128xf32, #tpu.memory_space<vmem>>, vector<16xf32>,
    tpu.vector_store %arg8[%swap3A_1502, %swap3A_1503, %swap3A_1504], %gather3A_1493 {strides = array<i32>} : memref<4x2x128xf32, #tpu.memory_space<vmem>>, vector<16xf32>,
    %get3A_1506 = arith.constant 3 : i32
    %get3A_1507 = arith.index_cast %get3A_1506 : i32 to index
    %get3A_1508 = arith.constant 80 : index
    %get3A_1509 = tpu.vector_load %arg5[%get3A_1507, %get3A_1508] {strides = array<i32>} : memref<4x128xi32, #tpu.memory_space<vmem>>, vector<16xi32>,
    %and3A_1510 = arith.constant 127 : i32
    %and3A_1511 = vector.broadcast %and3A_1510 : i32 to vector<16xi32>
    %and3A_1512 = arith.andi %get3A_1509, %and3A_1511 : vector<16xi32>
    %add3A_1513 = arith.constant 80 : i32
    %add3A_1514 = vector.broadcast %add3A_1513 : i32 to vector<16xi32>
    %add3A_1515 = arith.addi %iota3A, %add3A_1514 : vector<16xi32>
    %gather3A_1516 = arith.constant 1 : i32
    %gather3A_1517 = arith.constant 0 : i32
    %gather3A_1518 = arith.constant 0 : i32
    %gather3A_1519 = arith.constant 0 : i32
    %gather3A_1520 = tpu.memref_slice %arg7[%gather3A_1516, %gather3A_1517, %gather3A_1518, %gather3A_1519] : memref<2x128x2x128xf32, #tpu.memory_space<vmem>> -> memref<1x128x2x128xf32, #tpu.memory_space<vmem>>
    %gather3A_1521 = tpu.memref_squeeze %gather3A_1520 : memref<1x128x2x128xf32, #tpu.memory_space<vmem>> -> memref<128x2x128xf32, #tpu.memory_space<vmem>>
    %gather3A_1522 = tpu.vector_load_idx %gather3A_1521[%add3A_1515, %broadcast_in_dim3A_1, %and3A_1512] : memref<128x2x128xf32, #tpu.memory_space<vmem>>[vector<16xi32>, vector<16xi32>, vector<16xi32>], vector<16xf32>,
    %gather3A_1523 = arith.constant 1 : i32
    %gather3A_1524 = arith.constant 0 : i32
    %gather3A_1525 = arith.constant 0 : i32
    %gather3A_1526 = arith.constant 0 : i32
    %gather3A_1527 = tpu.memref_slice %arg7[%gather3A_1523, %gather3A_1524, %gather3A_1525, %gather3A_1526] : memref<2x128x2x128xf32, #tpu.memory_space<vmem>> -> memref<1x128x2x128xf32, #tpu.memory_space<vmem>>
    %gather3A_1528 = tpu.memref_squeeze %gather3A_1527 : memref<1x128x2x128xf32, #tpu.memory_space<vmem>> -> memref<128x2x128xf32, #tpu.memory_space<vmem>>
    %gather3A_1529 = tpu.vector_load_idx %gather3A_1528[%add3A_1515, %add3A_4, %and3A_1512] : memref<128x2x128xf32, #tpu.memory_space<vmem>>[vector<16xi32>, vector<16xi32>, vector<16xi32>], vector<16xf32>,
    %swap3A_1530 = arith.constant 3 : i32
    %swap3A_1531 = arith.constant 0 : i32
    %swap3A_1532 = arith.index_cast %swap3A_1530 : i32 to index
    %swap3A_1533 = arith.index_cast %swap3A_1531 : i32 to index
    %swap3A_1534 = arith.constant 80 : index
    %swap3A_1535 = tpu.vector_load %arg8[%swap3A_1532, %swap3A_1533, %swap3A_1534] {strides = array<i32>} : memref<4x2x128xf32, #tpu.memory_space<vmem>>, vector<16xf32>,
    tpu.vector_store %arg8[%swap3A_1532, %swap3A_1533, %swap3A_1534], %gather3A_1522 {strides = array<i32>} : memref<4x2x128xf32, #tpu.memory_space<vmem>>, vector<16xf32>,
    %swap3A_1536 = arith.constant 3 : i32
    %swap3A_1537 = arith.constant 1 : i32
    %swap3A_1538 = arith.index_cast %swap3A_1536 : i32 to index
    %swap3A_1539 = arith.index_cast %swap3A_1537 : i32 to index
    %swap3A_1540 = arith.constant 80 : index
    %swap3A_1541 = tpu.vector_load %arg8[%swap3A_1538, %swap3A_1539, %swap3A_1540] {strides = array<i32>} : memref<4x2x128xf32, #tpu.memory_space<vmem>>, vector<16xf32>,
    tpu.vector_store %arg8[%swap3A_1538, %swap3A_1539, %swap3A_1540], %gather3A_1529 {strides = array<i32>} : memref<4x2x128xf32, #tpu.memory_space<vmem>>, vector<16xf32>,
    %get3A_1542 = arith.constant 3 : i32
    %get3A_1543 = arith.index_cast %get3A_1542 : i32 to index
    %get3A_1544 = arith.constant 96 : index
    %get3A_1545 = tpu.vector_load %arg5[%get3A_1543, %get3A_1544] {strides = array<i32>} : memref<4x128xi32, #tpu.memory_space<vmem>>, vector<16xi32>,
    %and3A_1546 = arith.constant 127 : i32
    %and3A_1547 = vector.broadcast %and3A_1546 : i32 to vector<16xi32>
    %and3A_1548 = arith.andi %get3A_1545, %and3A_1547 : vector<16xi32>
    %add3A_1549 = arith.constant 96 : i32
    %add3A_1550 = vector.broadcast %add3A_1549 : i32 to vector<16xi32>
    %add3A_1551 = arith.addi %iota3A, %add3A_1550 : vector<16xi32>
    %gather3A_1552 = arith.constant 1 : i32
    %gather3A_1553 = arith.constant 0 : i32
    %gather3A_1554 = arith.constant 0 : i32
    %gather3A_1555 = arith.constant 0 : i32
    %gather3A_1556 = tpu.memref_slice %arg7[%gather3A_1552, %gather3A_1553, %gather3A_1554, %gather3A_1555] : memref<2x128x2x128xf32, #tpu.memory_space<vmem>> -> memref<1x128x2x128xf32, #tpu.memory_space<vmem>>
    %gather3A_1557 = tpu.memref_squeeze %gather3A_1556 : memref<1x128x2x128xf32, #tpu.memory_space<vmem>> -> memref<128x2x128xf32, #tpu.memory_space<vmem>>
    %gather3A_1558 = tpu.vector_load_idx %gather3A_1557[%add3A_1551, %broadcast_in_dim3A_1, %and3A_1548] : memref<128x2x128xf32, #tpu.memory_space<vmem>>[vector<16xi32>, vector<16xi32>, vector<16xi32>], vector<16xf32>,
    %gather3A_1559 = arith.constant 1 : i32
    %gather3A_1560 = arith.constant 0 : i32
    %gather3A_1561 = arith.constant 0 : i32
    %gather3A_1562 = arith.constant 0 : i32
    %gather3A_1563 = tpu.memref_slice %arg7[%gather3A_1559, %gather3A_1560, %gather3A_1561, %gather3A_1562] : memref<2x128x2x128xf32, #tpu.memory_space<vmem>> -> memref<1x128x2x128xf32, #tpu.memory_space<vmem>>
    %gather3A_1564 = tpu.memref_squeeze %gather3A_1563 : memref<1x128x2x128xf32, #tpu.memory_space<vmem>> -> memref<128x2x128xf32, #tpu.memory_space<vmem>>
    %gather3A_1565 = tpu.vector_load_idx %gather3A_1564[%add3A_1551, %add3A_4, %and3A_1548] : memref<128x2x128xf32, #tpu.memory_space<vmem>>[vector<16xi32>, vector<16xi32>, vector<16xi32>], vector<16xf32>,
    %swap3A_1566 = arith.constant 3 : i32
    %swap3A_1567 = arith.constant 0 : i32
    %swap3A_1568 = arith.index_cast %swap3A_1566 : i32 to index
    %swap3A_1569 = arith.index_cast %swap3A_1567 : i32 to index
    %swap3A_1570 = arith.constant 96 : index
    %swap3A_1571 = tpu.vector_load %arg8[%swap3A_1568, %swap3A_1569, %swap3A_1570] {strides = array<i32>} : memref<4x2x128xf32, #tpu.memory_space<vmem>>, vector<16xf32>,
    tpu.vector_store %arg8[%swap3A_1568, %swap3A_1569, %swap3A_1570], %gather3A_1558 {strides = array<i32>} : memref<4x2x128xf32, #tpu.memory_space<vmem>>, vector<16xf32>,
    %swap3A_1572 = arith.constant 3 : i32
    %swap3A_1573 = arith.constant 1 : i32
    %swap3A_1574 = arith.index_cast %swap3A_1572 : i32 to index
    %swap3A_1575 = arith.index_cast %swap3A_1573 : i32 to index
    %swap3A_1576 = arith.constant 96 : index
    %swap3A_1577 = tpu.vector_load %arg8[%swap3A_1574, %swap3A_1575, %swap3A_1576] {strides = array<i32>} : memref<4x2x128xf32, #tpu.memory_space<vmem>>, vector<16xf32>,
    tpu.vector_store %arg8[%swap3A_1574, %swap3A_1575, %swap3A_1576], %gather3A_1565 {strides = array<i32>} : memref<4x2x128xf32, #tpu.memory_space<vmem>>, vector<16xf32>,
    %get3A_1578 = arith.constant 3 : i32
    %get3A_1579 = arith.index_cast %get3A_1578 : i32 to index
    %get3A_1580 = arith.constant 112 : index
    %get3A_1581 = tpu.vector_load %arg5[%get3A_1579, %get3A_1580] {strides = array<i32>} : memref<4x128xi32, #tpu.memory_space<vmem>>, vector<16xi32>,
    %and3A_1582 = arith.constant 127 : i32
    %and3A_1583 = vector.broadcast %and3A_1582 : i32 to vector<16xi32>
    %and3A_1584 = arith.andi %get3A_1581, %and3A_1583 : vector<16xi32>
    %add3A_1585 = arith.constant 112 : i32
    %add3A_1586 = vector.broadcast %add3A_1585 : i32 to vector<16xi32>
    %add3A_1587 = arith.addi %iota3A, %add3A_1586 : vector<16xi32>
    %gather3A_1588 = arith.constant 1 : i32
    %gather3A_1589 = arith.constant 0 : i32
    %gather3A_1590 = arith.constant 0 : i32
    %gather3A_1591 = arith.constant 0 : i32
    %gather3A_1592 = tpu.memref_slice %arg7[%gather3A_1588, %gather3A_1589, %gather3A_1590, %gather3A_1591] : memref<2x128x2x128xf32, #tpu.memory_space<vmem>> -> memref<1x128x2x128xf32, #tpu.memory_space<vmem>>
    %gather3A_1593 = tpu.memref_squeeze %gather3A_1592 : memref<1x128x2x128xf32, #tpu.memory_space<vmem>> -> memref<128x2x128xf32, #tpu.memory_space<vmem>>
    %gather3A_1594 = tpu.vector_load_idx %gather3A_1593[%add3A_1587, %broadcast_in_dim3A_1, %and3A_1584] : memref<128x2x128xf32, #tpu.memory_space<vmem>>[vector<16xi32>, vector<16xi32>, vector<16xi32>], vector<16xf32>,
    %gather3A_1595 = arith.constant 1 : i32
    %gather3A_1596 = arith.constant 0 : i32
    %gather3A_1597 = arith.constant 0 : i32
    %gather3A_1598 = arith.constant 0 : i32
    %gather3A_1599 = tpu.memref_slice %arg7[%gather3A_1595, %gather3A_1596, %gather3A_1597, %gather3A_1598] : memref<2x128x2x128xf32, #tpu.memory_space<vmem>> -> memref<1x128x2x128xf32, #tpu.memory_space<vmem>>
    %gather3A_1600 = tpu.memref_squeeze %gather3A_1599 : memref<1x128x2x128xf32, #tpu.memory_space<vmem>> -> memref<128x2x128xf32, #tpu.memory_space<vmem>>
    %gather3A_1601 = tpu.vector_load_idx %gather3A_1600[%add3A_1587, %add3A_4, %and3A_1584] : memref<128x2x128xf32, #tpu.memory_space<vmem>>[vector<16xi32>, vector<16xi32>, vector<16xi32>], vector<16xf32>,
    %swap3A_1602 = arith.constant 3 : i32
    %swap3A_1603 = arith.constant 0 : i32
    %swap3A_1604 = arith.index_cast %swap3A_1602 : i32 to index
    %swap3A_1605 = arith.index_cast %swap3A_1603 : i32 to index
    %swap3A_1606 = arith.constant 112 : index
    %swap3A_1607 = tpu.vector_load %arg8[%swap3A_1604, %swap3A_1605, %swap3A_1606] {strides = array<i32>} : memref<4x2x128xf32, #tpu.memory_space<vmem>>, vector<16xf32>,
    tpu.vector_store %arg8[%swap3A_1604, %swap3A_1605, %swap3A_1606], %gather3A_1594 {strides = array<i32>} : memref<4x2x128xf32, #tpu.memory_space<vmem>>, vector<16xf32>,
    %swap3A_1608 = arith.constant 3 : i32
    %swap3A_1609 = arith.constant 1 : i32
    %swap3A_1610 = arith.index_cast %swap3A_1608 : i32 to index
    %swap3A_1611 = arith.index_cast %swap3A_1609 : i32 to index
    %swap3A_1612 = arith.constant 112 : index
    %swap3A_1613 = tpu.vector_load %arg8[%swap3A_1610, %swap3A_1611, %swap3A_1612] {strides = array<i32>} : memref<4x2x128xf32, #tpu.memory_space<vmem>>, vector<16xf32>,
    tpu.vector_store %arg8[%swap3A_1610, %swap3A_1611, %swap3A_1612], %gather3A_1601 {strides = array<i32>} : memref<4x2x128xf32, #tpu.memory_space<vmem>>, vector<16xf32>,
    %mul3A_1614 = arith.constant 4 : i32
    %mul3A_1615 = arith.muli %add3A, %mul3A_1614 : i32
    "tpu.region"() ({
      %run_scoped3A = tpu.sem_alloc : memref<!tpu.dma_semaphore, #tpu.memory_space<semaphore_mem>>
      %dma_start3A_1616 = arith.constant 0 : i32
      %dma_start3A_1617 = arith.constant 0 : i32
      %dma_start3A_1618 = tpu.memref_slice %arg4[%mul3A_1615, %dma_start3A_1616, %dma_start3A_1617] : memref<128x2x128xf32, #tpu.memory_space<hbm>> -> memref<4x2x128xf32, #tpu.memory_space<hbm>>
      %dma_start3A_1619 = arith.constant 0 : i32
      %dma_start3A_1620 = arith.constant 0 : i32
      %dma_start3A_1621 = tpu.memref_slice %arg4[%mul3A_1615, %dma_start3A_1619, %dma_start3A_1620] : memref<128x2x128xf32, #tpu.memory_space<hbm>> -> memref<4x2x128xf32, #tpu.memory_space<hbm>>
      tpu.enqueue_dma source(%arg8 : memref<4x2x128xf32, #tpu.memory_space<vmem>>) target(%dma_start3A_1621 : memref<4x2x128xf32, #tpu.memory_space<hbm>>) target_semaphore(%run_scoped3A : memref<!tpu.dma_semaphore, #tpu.memory_space<semaphore_mem>>)
      %dma_wait3A_1622 = arith.constant 0 : i32
      %dma_wait3A_1623 = arith.constant 0 : i32
      %dma_wait3A_1624 = tpu.memref_slice %arg4[%mul3A_1615, %dma_wait3A_1622, %dma_wait3A_1623] : memref<128x2x128xf32, #tpu.memory_space<hbm>> -> memref<4x2x128xf32, #tpu.memory_space<hbm>>
      %dma_wait3A_1625 = arith.constant 0 : i32
      %dma_wait3A_1626 = arith.constant 0 : i32
      %dma_wait3A_1627 = tpu.memref_slice %arg4[%mul3A_1615, %dma_wait3A_1625, %dma_wait3A_1626] : memref<128x2x128xf32, #tpu.memory_space<hbm>> -> memref<4x2x128xf32, #tpu.memory_space<hbm>>
      tpu.wait_dma2 semaphore(%run_scoped3A : memref<!tpu.dma_semaphore, #tpu.memory_space<semaphore_mem>>) src(%arg8 : memref<4x2x128xf32, #tpu.memory_space<vmem>>) dst(%dma_wait3A_1627 : memref<4x2x128xf32, #tpu.memory_space<hbm>>)
      tpu.yield
    }) : () -> ()
    return
  }
}

module attributes {stable_mosaic.version = 14 : i64} {
  func.func @_tc_sweep_body(%arg0: i32, %arg1: memref<64x32768xf32, #tpu.memory_space<vmem>>, %arg2: memref<2x64xf32, #tpu.memory_space<vmem>>, %arg3: memref<2x1xf32, #tpu.memory_space<vmem>>, %arg4: memref<2x32768xf32, #tpu.memory_space<vmem>>) attributes {dimension_semantics = [#tpu.dimension_semantics<arbitrary>], iteration_bounds = array<i64: 31>, scalar_prefetch = 0 : i64, scratch_operands = 0 : i64, tpu.core_type = #tpu.core_type<tc>, window_params = [{transform_indices = @transform_0, window_bounds = array<i64: 64, 32768>}, {pipeline_mode = #tpu.pipeline_mode<synchronous>, transform_indices = @transform_1, window_bounds = array<i64: 2, 64>}, {pipeline_mode = #tpu.pipeline_mode<synchronous>, transform_indices = @transform_2, window_bounds = array<i64: 2, 1>}, {transform_indices = @transform_3, window_bounds = array<i64: 2, 32768>}]} {
    %get3A = arith.constant 0 : index
    %get3A_0 = arith.constant 0 : index
    %get3A_1 = vector.load %arg1[%get3A, %get3A_0] : memref<64x32768xf32, #tpu.memory_space<vmem>>, vector<64x32768xf32>
    %tanh3A = math.tanh %get3A_1 : vector<64x32768xf32>
    %get3A_2 = arith.constant 0 : index
    %get3A_3 = arith.constant 0 : index
    %get3A_4 = vector.load %arg2[%get3A_2, %get3A_3] : memref<2x64xf32, #tpu.memory_space<vmem>>, vector<2x64xf32>
    %dot_general3A = arith.constant dense<0.000000e+00> : vector<2x32768xf32>
    %dot_general3A_5 = tpu.matmul %get3A_4, %tanh3A, %dot_general3A {dimension_numbers = #tpu.dot_dimension_numbers<[1], [0], [0], [1], [0, 0, 1, 1], [], []>, transpose_lhs_hint = false} : vector<2x64xf32>, vector<64x32768xf32>, vector<2x32768xf32> -> vector<2x32768xf32>
    %get3A_6 = arith.constant 0 : index
    %get3A_7 = arith.constant 0 : index
    %get3A_8 = vector.load %arg3[%get3A_6, %get3A_7] : memref<2x1xf32, #tpu.memory_space<vmem>>, vector<2x1xf32>
    %add3A = vector.broadcast %get3A_8 : vector<2x1xf32> to vector<2x32768xf32>
    %add3A_9 = arith.addf %dot_general3A_5, %add3A : vector<2x32768xf32>
    %swap3A = arith.constant 0 : index
    %swap3A_10 = arith.constant 0 : index
    %swap3A_11 = vector.load %arg4[%swap3A, %swap3A_10] : memref<2x32768xf32, #tpu.memory_space<vmem>>, vector<2x32768xf32>
    tpu.vector_store %arg4[%swap3A, %swap3A_10], %add3A_9 {strides = array<i32>} : memref<2x32768xf32, #tpu.memory_space<vmem>>, vector<2x32768xf32>,
    return
  }
  func.func @transform_0(%arg0: i32) -> (i32, i32) {
    %c0_i32 = arith.constant 0 : i32
    %c0_i32_0 = arith.constant 0 : i32
    return %c0_i32, %arg0 : i32, i32
  }
  func.func @transform_1(%arg0: i32) -> (i32, i32) {
    %c0_i32 = arith.constant 0 : i32
    %c0_i32_0 = arith.constant 0 : i32
    %c0_i32_1 = arith.constant 0 : i32
    return %c0_i32, %c0_i32_0 : i32, i32
  }
  func.func @transform_2(%arg0: i32) -> (i32, i32) {
    %c0_i32 = arith.constant 0 : i32
    %c0_i32_0 = arith.constant 0 : i32
    %c0_i32_1 = arith.constant 0 : i32
    return %c0_i32, %c0_i32_0 : i32, i32
  }
  func.func @transform_3(%arg0: i32) -> (i32, i32) {
    %c0_i32 = arith.constant 0 : i32
    %c0_i32_0 = arith.constant 0 : i32
    return %c0_i32, %arg0 : i32, i32
  }
}

</mosaic_0001>

<sc_bundles>
// kernel: kernel.4.cloned.1.call-start
scs
__scs_entry_jumppad:
0x0: {  	(pc) =	sbr.rel $0x88, $3  }
0x1: {  	(tag) =	ssettag $0x0;
	lr =	simm.s32 $0x1  }
0x2: {  	[smem:$0x3F9D] =	sst lr;
	_ =	strace $0xD0000000  }
0x3: {  	_ = 	snop  }
0x4: {  	_ = 	snop  }
0x5: {  	_ = 	snop  }
0x6: {  	_ = 	snop  }
0x7: {  	_ = 	snop  }
__scs_overlays_trampoline_lowered:
0x8: {  	[smem:$0x3FAC] =	sst s0  }
0x9: {  	[smem:$0x3FAD] =	sst s1  }
0xa: {  	[smem:$0x3FAE] =	sst s2  }
0xb: {  	[smem:$0x3FAF] =	sst s3  }
0xc: {  	[smem:$0x3FB0] =	sst s4  }
0xd: {  	[smem:$0x3FB1] =	sst s5  }
0xe: {  	[smem:$0x3FB2] =	sst s6  }
0xf: {  	[smem:$0x3FB3] =	sst s7  }
0x10: {  	[smem:$0x3FB4] =	sst s8  }
0x11: {  	[smem:$0x3FB5] =	sst s9;
	s0 =	simm.s32 @!p0 $0x0  }
0x12: {  	s1 =	sld [smem:$0x3F9B];
	s0 =	simm.s32 @p0 $0x1  }
0x13: {  	[smem:$0x3FB6] =	sst s0;
	s0 =	simm.s32 @!p1 $0x0  }
0x14: {  	s2 =	sld [smem:$0x3F9A];
	s0 =	simm.s32 @p1 $0x1  }
0x15: {  	[smem:$0x3FB7] =	sst s0;
	s0 =	simm.s32 @!p2 $0x0  }
0x16: {  	s3 =	sld [smem:$0x3FDB];
	s0 =	simm.s32 @p2 $0x1  }
0x17: {  	s4 =	simm.s32 $0x1BF5;
	[smem:$0x3FB9] =	sst s0  }
0x18: {  	s0 =	sld [smem:$0x3F9C];
	_ =	swait.ge [sflag:s4], $0x0  }
0x19: {  	s7 =	sld [smem:$0x3F9D]  }
0x1a: {  	s8 =	sadd.s32 $0xFFFFE003, lr  }
0x1b: {  	s9 =	sadd.s32 $0xFFFFFEF7, lr;
	s5 =	simm.s32 $0xFFFFFFFF;
	p2 =	slt.u32 s8, $0xFFFFF086  }
0x1c: {  	p1 =	slt.u32 s9, $0xF7A;
	s5 =	simm.s32 @!p2 $0x0  }
0x1d: {  	s5 =	simm.s32 @p1 $0x1;
	p0 =	seq.s32 s7, s2  }
0x1e: {  	s7 =	smul.u32 @!p0 $0xF7A, s2;
	p2 =	seq.s32 @!p0 s5, $0x0  }
0x1f: {  	s9 =	smul.u32 $0xF7A, s1;
	s8 =	simm.s32 @!p0 $0x1BF5;
	p2 =	por !p2, p0  }
0x20: {  	[sflag:s8] =	ssyncset.s32 @!p0 $0xFFFFF086;
	s6 =	sadd.s32 @!p0 s3, s7;
	s7 =	simm.s32 @!p0 $0x108  }
0x21: {  	s3 =	sadd.s32 s3, s9;
	s6 =	sadd.s32 @!p0 $0x88, s6;
	s7 =	simm.s32 @p2 $0x1082  }
0x22: {  	[simem:s7], [sflag:s8] =	dma.local @!p0 [hbm:s6], $0xF7A  }
0x23: {  	s9 =	sor.u32 $0xD0000000, s2;
	s6 =	simm.s32 $0x108;
	_ =	swait.ge @!p0 [sflag:s8], $0x0  }
0x24: {  	s3 =	sadd.s32 $0x88, s3;
	s6 =	simm.s32 @!p1 $0x1082;
	[sflag:s4] =	ssyncset.s32 $0xFFFFF086  }
0x25: {  	[simem:s6], [sflag:s4] =	dma.local [hbm:s3], $0xF7A  }
0x26: {  	[smem:$0x3F9D] =	sst s1;
	(tag) =	ssettag s2;
	_ =	strace s9  }
0x27: {  	s1 =	sld [smem:$0x3FAD]  }
0x28: {  	s2 =	sld [smem:$0x3FAE]  }
0x29: {  	s4 =	sld [smem:$0x3FB0]  }
0x2a: {  	p0 =	seq.s32 s5, $0x0;
	s5 =	sld [smem:$0x3FB1]  }
0x2b: {  	s6 =	sld [smem:$0x3FB2]  }
0x2c: {  	s7 =	sld [smem:$0x3FB3]  }
0x2d: {  	s3 =	simm.s32 $0x108;
	s8 =	sld [smem:$0x3FB4]  }
0x2e: {  	s3 =	simm.s32 @!p0 $0x1082;
	s9 =	sld [smem:$0x3FB5]  }
0x2f: {  	lr =	sadd.s32 s0, s3;
	s0 =	sld [smem:$0x3FAC]  }
0x30: {  	s3 =	sld [smem:$0x3FAF]  }
0x31: {  	[smem:$0x3FB8] =	sst s10  }
0x32: {  	s10 =	sld [smem:$0x3FB6];
	_ =	sdelay $0x3  }
0x33: {  	p0 =	seq.s32 s10, $0x1;
	s10 =	sld [smem:$0x3FB8];
	_ =	sdelay $0x3  }
0x34: {  	[smem:$0x3FB8] =	sst s10  }
0x35: {  	s10 =	sld [smem:$0x3FB7];
	_ =	sdelay $0x3  }
0x36: {  	p1 =	seq.s32 s10, $0x1;
	s10 =	sld [smem:$0x3FB8];
	_ =	sdelay $0x3  }
0x37: {  	[smem:$0x3FB8] =	sst s10  }
0x38: {  	s10 =	sld [smem:$0x3FB9]  }
0x39: {  	_ = 	snop;
	(pc) =	sbr.ind lr, $3  }
0x3a: {  	_ = 	snop  }
0x3b: {  	_ = 	snop  }
0x3c: {  	p2 =	seq.s32 s10, $0x1;
	s10 =	sld [smem:$0x3FB8]  }
0x3d: {  	_ =	shalt  }
0x3e: {  	_ =	shalt  }
0x3f: {  	_ =	shalt  }
0x40: {  	_ =	shalt  }
0x41: {  	_ =	shalt  }
0x42: {  	_ =	shalt  }
0x43: {  	_ =	shalt  }
0x44: {  	_ =	shalt  }
0x45: {  	_ =	shalt  }
0x46: {  	_ =	shalt  }
0x47: {  	_ =	shalt  }
0x48: {  	_ =	shalt  }
0x49: {  	_ =	shalt  }
0x4a: {  	_ =	shalt  }
0x4b: {  	_ =	shalt  }
0x4c: {  	_ =	shalt  }
0x4d: {  	_ =	shalt  }
0x4e: {  	_ =	shalt  }
0x4f: {  	_ =	shalt  }
0x50: {  	_ =	shalt  }
0x51: {  	_ =	shalt  }
0x52: {  	_ =	shalt  }
0x53: {  	_ =	shalt  }
0x54: {  	_ =	shalt  }
0x55: {  	_ =	shalt  }
0x56: {  	_ =	shalt  }
0x57: {  	_ =	shalt  }
0x58: {  	_ =	shalt  }
0x59: {  	_ =	shalt  }
0x5a: {  	_ =	shalt  }
0x5b: {  	_ =	shalt  }
0x5c: {  	_ =	shalt  }
0x5d: {  	_ =	shalt  }
0x5e: {  	_ =	shalt  }
0x5f: {  	_ =	shalt  }
0x60: {  	_ =	shalt  }
0x61: {  	_ =	shalt  }
0x62: {  	_ =	shalt  }
0x63: {  	_ =	shalt  }
0x64: {  	_ =	shalt  }
0x65: {  	_ =	shalt  }
0x66: {  	_ =	shalt  }
0x67: {  	_ =	shalt  }
0x68: {  	_ =	shalt  }
0x69: {  	_ =	shalt  }
0x6a: {  	_ =	shalt  }
0x6b: {  	_ =	shalt  }
0x6c: {  	_ =	shalt  }
0x6d: {  	_ =	shalt  }
0x6e: {  	_ =	shalt  }
0x6f: {  	_ =	shalt  }
0x70: {  	_ =	shalt  }
0x71: {  	_ =	shalt  }
0x72: {  	_ =	shalt  }
0x73: {  	_ =	shalt  }
0x74: {  	_ =	shalt  }
0x75: {  	_ =	shalt  }
0x76: {  	_ =	shalt  }
0x77: {  	_ =	shalt  }
0x78: {  	_ =	shalt  }
0x79: {  	_ =	shalt  }
0x7a: {  	_ =	shalt  }
0x7b: {  	_ =	shalt  }
0x7c: {  	_ =	shalt  }
0x7d: {  	_ =	shalt  }
0x7e: {  	_ =	shalt  }
0x7f: {  	_ =	shalt  }
0x80: {  	_ =	shalt  }
0x81: {  	_ =	shalt  }
0x82: {  	_ =	shalt  }
0x83: {  	_ =	shalt  }
0x84: {  	_ =	shalt  }
0x85: {  	_ =	shalt  }
0x86: {  	_ =	shalt  }
0x87: {  	_ =	shalt  }
.Lfunc_end0:
.L_simem_size_0:
called_computation_lowered:
.L_overlay_start_0:
0x88: {  	s2 =	sld [smem:$0x3FD9]  }
0x89: {  	s3 =	sld [smem:$0x3FFE];
	_ =	sdelay $0x1  }
0x8a: {  	s1 =	srdreg.scid  }
0x8b: {  	s0 =	sand.u32 $0x1, s1  }
0x8c: {  	s17 =	sshll.u32 s0, $0xA;
	s2 =	sadd.s32 s3, s2  }
0x8d: {  	s2 =	sadd.s32 s2, s17  }
0x8e: {  	[smem:$0x3FC4] =	sst s2  }
0x8f: {  	_ = 	snop  }
0x90: {  	s2 =	sld [smem:$0x3FC9]  }
0x91: {  	s18 =	sld [smem:$0x3FD0];
	(tm) =	ssettm $0x1  }
0x92: {  	s4 =	sld [smem:$0x3FFB];
	_ =	sdelay $0x3  }
0x93: {  	_ =	strace s4  }
0x94: {  	s4 =	sld [smem:$0x3FFC];
	_ =	sdelay $0x3  }
0x95: {  	_ =	strace s4  }
0x96: {  	s4 =	sld [smem:$0x3FFD];
	_ =	sdelay $0x3  }
0x97: {  	_ =	strace s4  }
0x98: {  	_ =	strace $0x8FFFFFFF  }
0x99: {  	s19 =	sld [smem:$0x3FDB];
	_ =	sdelay $0x1  }
0x9a: {  	s5 =	simm.s32 $_scs_section_size  }
0x9b: {  	s6 =	simm.s32 $_size__tile_overlayer_lowered;
	s7 =	simm.s32 $_tile_overlayer_lowered  }
0x9c: {  	s22 =	simm.s32 $0x1BFF;
	s21 =	sshll.u32 s7, $0x1;
	s4 =	sadd.s32 s5, s19  }
0x9d: {  	s8 =	simm.s32 $0x0;
	s20 =	sshll.u32 s6, $0x1;
	s6 =	sadd.s32 s21, s4  }
0x9e: {  	[timem:s8], [sflag:s22] =	dma.local [hbm:s6], s20  }
0x9f: {  	_ =	swait.ge [sflag:s22], s20  }
0xa0: {  	s5 =	ssub.s32 $0x0, s20;
	[sflag:s22] =	ssyncset.done $0x0  }
0xa1: {  	[sflag:s22] =	ssyncadd.s32 s5;
	_ =	sdelay $0x1  }
0xa2: {  	s23 =	simm.s32 $0x1B8B  }
0xa3: {  	_ =	swait.ge [sflag:s23], $0x1  }
0xa4: {  	[sflag:s23] =	ssyncset.done $0x0  }
0xa5: {  	s25 =	simm.s32 $0x1B8E;
	s24 =	sld [smem:$0x3FFE];
	[sflag:s23] =	ssyncadd.s32 $0xFFFFFFFF  }
0xa6: {  	s26 =	simm.s32 $execute0_lowered;
	[smem:$0x3FD2] =	sst s25  }
0xa7: {  	s6 =	sshll.u32 s26, $0x1;
	_ =	strace $0x80000046;
	[dreg:$0x1] =	wrdreg $0xFFFFFFFF  }
0xa8: {  	s28 =	simm.s32 $_size_execute0_lowered;
	s4 =	sadd.s32 s4, s6;
	[dreg:$0x0] =	wrdreg $0x0  }
0xa9: {  	s6 =	sshll.u32 s28, $0x1;
	[dreg:$0x2] =	wrdreg s4  }
0xaa: {  	[dreg:$0x3] =	wrdreg s6  }
0xab: {  	[dreg:$0x4] =	wrdreg $0xC0  }
0xac: {  	_ =	task [dreg:s8], $0x5FFFF  }
0xad: {  	[dreg:$0x1] =	wrdreg $0xFFFFFFFF  }
0xae: {  	[dreg:$0x0] =	wrdreg $0x60  }
0xaf: {  	[dreg:$0x2] =	wrdreg s2  }
0xb0: {  	[dreg:$0x3] =	wrdreg s24  }
0xb1: {  	[dreg:$0x4] =	wrdreg s18  }
0xb2: {  	[dreg:$0x5] =	wrdreg $0x9  }
0xb3: {  	_ =	task.clear_ibuf [dreg:s8], $0x6FFFF;
	_ =	strace $0x90000046  }
0xb4: {  	s29 =	simm.s32 $0x9;
	_ =	strace $0x80000048  }
0xb5: {  	_ =	swait.ge [sflag:s29], $0x1  }
0xb6: {  	[sflag:s29] =	ssyncadd.s32 $0xFFFFFFFF  }
0xb7: {  	_ =	strace $0x90000048  }
0xb8: {  	_ =	sfence  }
0xb9: {  	s30 =	sld [smem:$0x0];
	_ =	sdelay $0x2  }
0xba: {  	s31 =	sshll.u32 s1, $0xD;
	s1 =	sshrl.u32 s1, $0x2  }
0xbb: {  	s3 =	sand.u32 $0x4000, s31;
	s1 =	sadd.s32 s1, s30  }
0xbc: {  	s0 =	sor.u32 s3, s0;
	s1 =	sshll.u32 s1, $0x11  }
0xbd: {  	s0 =	sor.u32 s1, s0  }
0xbe: {  	s0 =	sadd.s32 $0x8F2B, s0  }
0xbf: {  	[sflag:s0] =	ssyncadd.remote.s32 $0x1  }
0xc0: {  	_ =	sfence.sel $0xFFFF  }
0xc1: {  	[dreg:$0x0] =	wrdreg $0xFFFFFFFF;
	(pc) =	sbr.abs _section_cstart, $3  }
0xc2: {  	[dreg:$0x1] =	wrdreg $0xFFFFFFFF  }
0xc3: {  	_ =	task.clear_ibuf [dreg:s8], $0x2FFFF;
	_ =	strace $0x9FFFFFFF  }
0xc4: {  	(tm) =	ssettm $0x7FFFFFFF  }
0xc5: {  	_ =	shalt  }
tec
execute0_lowered:
.L_overlay_start_1:
0x0: {  	(tag) =	ssettag $0x1  }
0x1: {  	s4 =	rddreg [dreg:$0x0]  }
0x2: {  	s3 =	rddreg [dreg:$0x1]  }
0x3: {  	s5 =	rddreg [dreg:$0x2]  }
0x4: {  	s0 =	rddreg [dreg:$0x3];
	s2 =	simm.s32 $0x0  }
0x5: {  	s6 =	srdreg.scid;
	s1 =	stileid.u32;
	s10 =	simm.s32 $0x400  }
0x6: {  	v0 =	vlaneseq.u32;
	s11 =	simm.s32 $0x280;
	s12 =	simm.s32 $0x8400;
	s13 =	simm.s32 $0x1  }
0x7: {  	s14 =	simm.s32 $0x300;
	s15 =	simm.s32 $0x2;
	s16 =	simm.s32 $0x380;
	v0 =	vmul.u32 $0x100, v0  }
0x8: {  	s17 =	simm.s32 $0x10400;
	[smem:$0x7FF] =	sst s2;
	s6 =	sand.u32 $0x1, s6  }
0x9: {  	s7 =	sshll.u32 s1, $0x1;
	s3 =	sadd.s32 $0x800, s3;
	s8 =	ssub.s32 $0x2, s6;
	v1 =	vor.u32 $0x80, v0;
	v2 =	vor.u32 $0x1000, v0;
	v3 =	vor.u32 $0x1080, v0  }
0xa: {  	_ =	strace $0x80000047;
	s6 =	sor.u32 s6, s7;
	s31 =	sshrl.u32 s8, $0x1;
	v4 =	vor.u32 $0x2000, v0;
	v5 =	vor.u32 $0x2080, v0;
	v6 =	vor.u32 $0x3000, v0  }
0xb: {  	s9 =	sshll.u32 s6, $0x6;
	s6 =	sshll.u32 s6, $0x7;
	v7 =	vor.u32 $0x3080, v0;
	v8 =	vor.u32 $0x4000, v0;
	v9 =	vor.u32 $0x4080, v0;
	s7 =	ssub.s32 s8, s31  }
0xc: {  	v10 =	vor.u32 $0x5000, v0;
	v11 =	vor.u32 $0x5080, v0;
	v12 =	vor.u32 $0x6000, v0;
	s4 =	sadd.s32 s4, s9;
	s5 =	sadd.s32 s5, s6;
	s8 =	simm.s32 $0x80  }
0xd: {  	v13 =	vor.u32 $0x6080, v0;
	v14 =	vor.u32 $0x7000, v0;
	v15 =	vor.u32 $0x7080, v0;
	s9 =	simm.s32 $0x200;
	s6 =	smax.u32 s7, $0x1;
	s7 =	simm.s32 $0x3  }
.LBB2_1:
0xe: {  	[tilespmem:s2], [sflag:$0x3] =	stream.linear.gather [hbm4b:s4+s2], $0x200, $0x38;
	[tilespmem:$0x10800] =	vst v63  }
0xf: {  	_ =	swait.ge [sflag:s7], $0x200  }
0x10: {  	[sflag:s7] =	ssyncset.done $0x0  }
0x11: {  	[sflag:s7] =	ssyncadd.s32 $0xFFFFFE00  }
0x12: {  	v16 =	vld [tilespmem:$0x0]  }
0x13: {  	v17 =	vld [tilespmem:$0x10]  }
0x14: {  	v18 =	vld [tilespmem:$0x20]  }
0x15: {  	v19 =	vld [tilespmem:$0x30]  }
0x16: {  	v20 =	vld [tilespmem:$0x40]  }
0x17: {  	v21 =	vld [tilespmem:$0x50];
	v16 =	vshra.s32 v16, $0x7  }
0x18: {  	[tilespmem:$0x200] =	vst v16;
	v16 =	vshra.s32 v17, $0x7;
	v17 =	vld [tilespmem:$0x60]  }
0x19: {  	v46 =	vld [tilespmem:$0x70];
	[tilespmem:$0x210] =	vst v16;
	v16 =	vshra.s32 v18, $0x7  }
0x1a: {  	v47 =	vld [tilespmem:$0x80];
	[tilespmem:$0x220] =	vst v16;
	v16 =	vshra.s32 v19, $0x7  }
0x1b: {  	v48 =	vld [tilespmem:$0x90];
	[tilespmem:$0x230] =	vst v16;
	v16 =	vshra.s32 v20, $0x7  }
0x1c: {  	v49 =	vld [tilespmem:$0xA0];
	[tilespmem:$0x240] =	vst v16;
	v16 =	vshra.s32 v21, $0x7  }
0x1d: {  	[tilespmem:$0x250] =	vst v16;
	v16 =	vshra.s32 v17, $0x7;
	v17 =	vld [tilespmem:$0xB0]  }
0x1e: {  	v50 =	vld [tilespmem:$0xC0];
	[tilespmem:$0x260] =	vst v16;
	v16 =	vshra.s32 v46, $0x7  }
0x1f: {  	v51 =	vld [tilespmem:$0xD0];
	[tilespmem:$0x270] =	vst v16;
	v16 =	vshra.s32 v47, $0x7  }
0x20: {  	v52 =	vld [tilespmem:$0xE0];
	[tilespmem:$0x280] =	vst v16;
	v16 =	vshra.s32 v48, $0x7  }
0x21: {  	v53 =	vld [tilespmem:$0xF0];
	[tilespmem:$0x290] =	vst v16;
	v16 =	vshra.s32 v49, $0x7  }
0x22: {  	[tilespmem:$0x2A0] =	vst v16;
	v16 =	vshra.s32 v17, $0x7;
	v17 =	vld [tilespmem:$0x100]  }
0x23: {  	v54 =	vld [tilespmem:$0x110];
	[tilespmem:$0x2B0] =	vst v16;
	v16 =	vshra.s32 v50, $0x7  }
0x24: {  	v55 =	vld [tilespmem:$0x120];
	[tilespmem:$0x2C0] =	vst v16;
	v16 =	vshra.s32 v51, $0x7  }
0x25: {  	v56 =	vld [tilespmem:$0x130];
	[tilespmem:$0x2D0] =	vst v16;
	v16 =	vshra.s32 v52, $0x7  }
0x26: {  	v57 =	vld [tilespmem:$0x140];
	[tilespmem:$0x2E0] =	vst v16;
	v16 =	vshra.s32 v53, $0x7  }
0x27: {  	[tilespmem:$0x2F0] =	vst v16;
	v16 =	vshra.s32 v17, $0x7;
	v17 =	vld [tilespmem:$0x150]  }
0x28: {  	v58 =	vld [tilespmem:$0x160];
	[tilespmem:$0x300] =	vst v16;
	v16 =	vshra.s32 v54, $0x7  }
0x29: {  	v59 =	vld [tilespmem:$0x170];
	[tilespmem:$0x310] =	vst v16;
	v16 =	vshra.s32 v55, $0x7  }
0x2a: {  	v60 =	vld [tilespmem:$0x180];
	[tilespmem:$0x320] =	vst v16;
	v16 =	vshra.s32 v56, $0x7  }
0x2b: {  	v61 =	vld [tilespmem:$0x190];
	[tilespmem:$0x330] =	vst v16;
	v16 =	vshra.s32 v57, $0x7  }
0x2c: {  	[tilespmem:$0x340] =	vst v16;
	v16 =	vshra.s32 v17, $0x7;
	v17 =	vld [tilespmem:$0x1A0]  }
0x2d: {  	v62 =	vld [tilespmem:$0x1B0];
	[tilespmem:$0x350] =	vst v16;
	v16 =	vshra.s32 v58, $0x7  }
0x2e: {  	v63 =	vld [tilespmem:$0x1C0];
	[tilespmem:$0x360] =	vst v16;
	v16 =	vshra.s32 v59, $0x7  }
0x2f: {  	v24 =	vld [tilespmem:$0x1D0];
	[tilespmem:$0x370] =	vst v16;
	v16 =	vshra.s32 v60, $0x7  }
0x30: {  	v25 =	vld [tilespmem:$0x1E0];
	[tilespmem:$0x380] =	vst v16;
	v16 =	vshra.s32 v61, $0x7  }
0x31: {  	[tilespmem:$0x390] =	vst v16;
	v16 =	vshra.s32 v17, $0x7;
	v17 =	vld [tilespmem:$0x1F0]  }
0x32: {  	[tilespmem:$0x3A0] =	vst v16;
	v16 =	vshra.s32 v62, $0x7  }
0x33: {  	[tilespmem:$0x3B0] =	vst v16;
	v16 =	vshra.s32 v63, $0x7  }
0x34: {  	[tilespmem:$0x3C0] =	vst v16;
	v16 =	vshra.s32 v24, $0x7  }
0x35: {  	[tilespmem:$0x3D0] =	vst v16;
	v16 =	vshra.s32 v25, $0x7  }
0x36: {  	[tilespmem:$0x3E0] =	vst v16;
	v16 =	vshra.s32 v17, $0x7  }
0x37: {  	[tilespmem:$0x3F0] =	vst v16  }
0x38: {  	[tilespmem:s10], [sflag:$0x1] =	stream.indirect.gather [hbm4b:s3+s8], $0x100, s9, s8, $0xb8;
	[tilespmem:$0x10800] =	vst v63  }
0x39: {  	_ = 	snop  }
0x3a: {  	[tilespmem:s12], [sflag:$0x2] =	stream.indirect.gather [hbm4b:s3+s8], $0x100, s11, s8, $0xb8;
	[tilespmem:$0x10800] =	vst v63  }
0x3b: {  	_ =	swait.ge [sflag:s13], $0x8000  }
0x3c: {  	[sflag:s13] =	ssyncset.done $0x0  }
0x3d: {  	[sflag:s13] =	ssyncadd.s32 $0xFFFF8000  }
0x3e: {  	v16 =	vld [tilespmem:$0x0];
	_ =	sdelay $0x4  }
0x3f: {  	v16 =	vand.u32 $0x7F, v16  }
0x40: {  	v17 =	vor.u32 v0, v16  }
0x41: {  	v26 =	vld [tilespmem:$0x10];
	v16 =	vor.u32 v1, v16;
	_ =	sdelay $0x3  }
0x42: {  	v17 =	vld.idx.msk [tilespmem:v17+s10+$0x0], $0xffff  }
0x43: {  	v18 =	vand.u32 $0x7F, v26;
	v16 =	vld.idx.msk [tilespmem:v16+s10+$0x0], $0xffff  }
0x44: {  	v27 =	vor.u32 v2, v18  }
0x45: {  	v28 =	vld [tilespmem:$0x20];
	v18 =	vor.u32 v3, v18;
	_ =	sdelay $0x1  }
0x46: {  	[tilespmem:$0x10400] =	vst v17  }
0x47: {  	[tilespmem:$0x10480] =	vst v16  }
0x48: {  	v16 =	vld.idx.msk [tilespmem:v27+s10+$0x0], $0xffff  }
0x49: {  	v29 =	vand.u32 $0x7F, v28;
	v17 =	vld.idx.msk [tilespmem:v18+s10+$0x0], $0xffff  }
0x4a: {  	v30 =	vor.u32 v4, v29  }
0x4b: {  	v31 =	vld [tilespmem:$0x30];
	v18 =	vor.u32 v5, v29;
	_ =	sdelay $0x1  }
0x4c: {  	[tilespmem:$0x10410] =	vst v16  }
0x4d: {  	[tilespmem:$0x10490] =	vst v17  }
0x4e: {  	v16 =	vld.idx.msk [tilespmem:v30+s10+$0x0], $0xffff  }
0x4f: {  	v32 =	vand.u32 $0x7F, v31;
	v17 =	vld.idx.msk [tilespmem:v18+s10+$0x0], $0xffff  }
0x50: {  	v33 =	vor.u32 v6, v32  }
0x51: {  	v34 =	vld [tilespmem:$0x40];
	v18 =	vor.u32 v7, v32;
	_ =	sdelay $0x1  }
0x52: {  	[tilespmem:$0x10420] =	vst v16  }
0x53: {  	[tilespmem:$0x104A0] =	vst v17  }
0x54: {  	v16 =	vld.idx.msk [tilespmem:v33+s10+$0x0], $0xffff  }
0x55: {  	v35 =	vand.u32 $0x7F, v34;
	v17 =	vld.idx.msk [tilespmem:v18+s10+$0x0], $0xffff  }
0x56: {  	v36 =	vor.u32 v8, v35  }
0x57: {  	v37 =	vld [tilespmem:$0x50];
	v18 =	vor.u32 v9, v35;
	_ =	sdelay $0x1  }
0x58: {  	[tilespmem:$0x10430] =	vst v16  }
0x59: {  	[tilespmem:$0x104B0] =	vst v17  }
0x5a: {  	v16 =	vld.idx.msk [tilespmem:v36+s10+$0x0], $0xffff  }
0x5b: {  	v38 =	vand.u32 $0x7F, v37;
	v17 =	vld.idx.msk [tilespmem:v18+s10+$0x0], $0xffff  }
0x5c: {  	v39 =	vor.u32 v10, v38  }
0x5d: {  	v40 =	vld [tilespmem:$0x60];
	v18 =	vor.u32 v11, v38;
	_ =	sdelay $0x1  }
0x5e: {  	[tilespmem:$0x10440] =	vst v16  }
0x5f: {  	[tilespmem:$0x104C0] =	vst v17  }
0x60: {  	v16 =	vld.idx.msk [tilespmem:v39+s10+$0x0], $0xffff  }
0x61: {  	v41 =	vand.u32 $0x7F, v40;
	v17 =	vld.idx.msk [tilespmem:v18+s10+$0x0], $0xffff  }
0x62: {  	v42 =	vor.u32 v12, v41  }
0x63: {  	v43 =	vld [tilespmem:$0x70];
	v18 =	vor.u32 v13, v41;
	_ =	sdelay $0x1  }
0x64: {  	[tilespmem:$0x10450] =	vst v16  }
0x65: {  	[tilespmem:$0x104D0] =	vst v17  }
0x66: {  	v16 =	vld.idx.msk [tilespmem:v42+s10+$0x0], $0xffff  }
0x67: {  	v44 =	vand.u32 $0x7F, v43;
	v17 =	vld.idx.msk [tilespmem:v18+s10+$0x0], $0xffff  }
0x68: {  	v45 =	vor.u32 v14, v44  }
0x69: {  	v18 =	vor.u32 v15, v44;
	_ =	sdelay $0x1  }
0x6a: {  	[tilespmem:$0x10460] =	vst v16  }
0x6b: {  	[tilespmem:$0x104E0] =	vst v17  }
0x6c: {  	v16 =	vld.idx.msk [tilespmem:v45+s10+$0x0], $0xffff  }
0x6d: {  	v17 =	vld.idx.msk [tilespmem:v18+s10+$0x0], $0xffff;
	_ =	sdelay $0x3  }
0x6e: {  	[tilespmem:$0x10470] =	vst v16  }
0x6f: {  	[tilespmem:$0x104F0] =	vst v17  }
0x70: {  	[tilespmem:s10], [sflag:$0x1] =	stream.indirect.gather [hbm4b:s3+s8], $0x100, s14, s8, $0xb8;
	[tilespmem:$0x10800] =	vst v63  }
0x71: {  	_ =	swait.ge [sflag:s15], $0x8000  }
0x72: {  	[sflag:s15] =	ssyncset.done $0x0  }
0x73: {  	[sflag:s15] =	ssyncadd.s32 $0xFFFF8000  }
0x74: {  	v16 =	vld [tilespmem:$0x80];
	_ =	sdelay $0x4  }
0x75: {  	v16 =	vand.u32 $0x7F, v16  }
0x76: {  	v17 =	vor.u32 v0, v16  }
0x77: {  	v46 =	vld [tilespmem:$0x90];
	v16 =	vor.u32 v1, v16;
	_ =	sdelay $0x3  }
0x78: {  	v17 =	vld.idx.msk [tilespmem:v17+s12+$0x0], $0xffff  }
0x79: {  	v18 =	vand.u32 $0x7F, v46;
	v16 =	vld.idx.msk [tilespmem:v16+s12+$0x0], $0xffff  }
0x7a: {  	v47 =	vor.u32 v2, v18  }
0x7b: {  	v48 =	vld [tilespmem:$0xA0];
	v18 =	vor.u32 v3, v18;
	_ =	sdelay $0x1  }
0x7c: {  	[tilespmem:$0x10500] =	vst v17  }
0x7d: {  	[tilespmem:$0x10580] =	vst v16  }
0x7e: {  	v16 =	vld.idx.msk [tilespmem:v47+s12+$0x0], $0xffff  }
0x7f: {  	v49 =	vand.u32 $0x7F, v48;
	v17 =	vld.idx.msk [tilespmem:v18+s12+$0x0], $0xffff  }
0x80: {  	v50 =	vor.u32 v4, v49  }
0x81: {  	v51 =	vld [tilespmem:$0xB0];
	v18 =	vor.u32 v5, v49;
	_ =	sdelay $0x1  }
0x82: {  	[tilespmem:$0x10510] =	vst v16  }
0x83: {  	[tilespmem:$0x10590] =	vst v17  }
0x84: {  	v16 =	vld.idx.msk [tilespmem:v50+s12+$0x0], $0xffff  }
0x85: {  	v52 =	vand.u32 $0x7F, v51;
	v17 =	vld.idx.msk [tilespmem:v18+s12+$0x0], $0xffff  }
0x86: {  	v53 =	vor.u32 v6, v52  }
0x87: {  	v54 =	vld [tilespmem:$0xC0];
	v18 =	vor.u32 v7, v52;
	_ =	sdelay $0x1  }
0x88: {  	[tilespmem:$0x10520] =	vst v16  }
0x89: {  	[tilespmem:$0x105A0] =	vst v17  }
0x8a: {  	v16 =	vld.idx.msk [tilespmem:v53+s12+$0x0], $0xffff  }
0x8b: {  	v55 =	vand.u32 $0x7F, v54;
	v17 =	vld.idx.msk [tilespmem:v18+s12+$0x0], $0xffff  }
0x8c: {  	v56 =	vor.u32 v8, v55  }
0x8d: {  	v57 =	vld [tilespmem:$0xD0];
	v18 =	vor.u32 v9, v55;
	_ =	sdelay $0x1  }
0x8e: {  	[tilespmem:$0x10530] =	vst v16  }
0x8f: {  	[tilespmem:$0x105B0] =	vst v17  }
0x90: {  	v16 =	vld.idx.msk [tilespmem:v56+s12+$0x0], $0xffff  }
0x91: {  	v58 =	vand.u32 $0x7F, v57;
	v17 =	vld.idx.msk [tilespmem:v18+s12+$0x0], $0xffff  }
0x92: {  	v59 =	vor.u32 v10, v58  }
0x93: {  	v60 =	vld [tilespmem:$0xE0];
	v18 =	vor.u32 v11, v58;
	_ =	sdelay $0x1  }
0x94: {  	[tilespmem:$0x10540] =	vst v16  }
0x95: {  	[tilespmem:$0x105C0] =	vst v17  }
0x96: {  	v16 =	vld.idx.msk [tilespmem:v59+s12+$0x0], $0xffff  }
0x97: {  	v61 =	vand.u32 $0x7F, v60;
	v17 =	vld.idx.msk [tilespmem:v18+s12+$0x0], $0xffff  }
0x98: {  	v62 =	vor.u32 v12, v61  }
0x99: {  	v63 =	vld [tilespmem:$0xF0];
	v18 =	vor.u32 v13, v61;
	_ =	sdelay $0x1  }
0x9a: {  	[tilespmem:$0x10550] =	vst v16  }
0x9b: {  	[tilespmem:$0x105D0] =	vst v17  }
0x9c: {  	v16 =	vld.idx.msk [tilespmem:v62+s12+$0x0], $0xffff  }
0x9d: {  	v22 =	vand.u32 $0x7F, v63;
	v17 =	vld.idx.msk [tilespmem:v18+s12+$0x0], $0xffff  }
0x9e: {  	v23 =	vor.u32 v14, v22  }
0x9f: {  	v18 =	vor.u32 v15, v22;
	_ =	sdelay $0x1  }
0xa0: {  	[tilespmem:$0x10560] =	vst v16  }
0xa1: {  	[tilespmem:$0x105E0] =	vst v17  }
0xa2: {  	v16 =	vld.idx.msk [tilespmem:v23+s12+$0x0], $0xffff  }
0xa3: {  	v17 =	vld.idx.msk [tilespmem:v18+s12+$0x0], $0xffff;
	_ =	sdelay $0x3  }
0xa4: {  	[tilespmem:$0x10570] =	vst v16  }
0xa5: {  	[tilespmem:$0x105F0] =	vst v17  }
0xa6: {  	[tilespmem:s12], [sflag:$0x2] =	stream.indirect.gather [hbm4b:s3+s8], $0x100, s16, s8, $0xb8;
	[tilespmem:$0x10800] =	vst v63  }
0xa7: {  	_ =	swait.ge [sflag:s13], $0x8000  }
0xa8: {  	[sflag:s13] =	ssyncset.done $0x0  }
0xa9: {  	[sflag:s13] =	ssyncadd.s32 $0xFFFF8000  }
0xaa: {  	v16 =	vld [tilespmem:$0x100];
	_ =	sdelay $0x4  }
0xab: {  	v16 =	vand.u32 $0x7F, v16  }
0xac: {  	v17 =	vor.u32 v0, v16  }
0xad: {  	v24 =	vld [tilespmem:$0x110];
	v16 =	vor.u32 v1, v16;
	_ =	sdelay $0x3  }
0xae: {  	v17 =	vld.idx.msk [tilespmem:v17+s10+$0x0], $0xffff  }
0xaf: {  	v18 =	vand.u32 $0x7F, v24;
	v16 =	vld.idx.msk [tilespmem:v16+s10+$0x0], $0xffff  }
0xb0: {  	v25 =	vor.u32 v2, v18  }
0xb1: {  	v26 =	vld [tilespmem:$0x120];
	v18 =	vor.u32 v3, v18;
	_ =	sdelay $0x1  }
0xb2: {  	[tilespmem:$0x10600] =	vst v17  }
0xb3: {  	[tilespmem:$0x10680] =	vst v16  }
0xb4: {  	v16 =	vld.idx.msk [tilespmem:v25+s10+$0x0], $0xffff  }
0xb5: {  	v27 =	vand.u32 $0x7F, v26;
	v17 =	vld.idx.msk [tilespmem:v18+s10+$0x0], $0xffff  }
0xb6: {  	v28 =	vor.u32 v4, v27  }
0xb7: {  	v29 =	vld [tilespmem:$0x130];
	v18 =	vor.u32 v5, v27;
	_ =	sdelay $0x1  }
0xb8: {  	[tilespmem:$0x10610] =	vst v16  }
0xb9: {  	[tilespmem:$0x10690] =	vst v17  }
0xba: {  	v16 =	vld.idx.msk [tilespmem:v28+s10+$0x0], $0xffff  }
0xbb: {  	v30 =	vand.u32 $0x7F, v29;
	v17 =	vld.idx.msk [tilespmem:v18+s10+$0x0], $0xffff  }
0xbc: {  	v31 =	vor.u32 v6, v30  }
0xbd: {  	v32 =	vld [tilespmem:$0x140];
	v18 =	vor.u32 v7, v30;
	_ =	sdelay $0x1  }
0xbe: {  	[tilespmem:$0x10620] =	vst v16  }
0xbf: {  	[tilespmem:$0x106A0] =	vst v17  }
0xc0: {  	v16 =	vld.idx.msk [tilespmem:v31+s10+$0x0], $0xffff  }
0xc1: {  	v33 =	vand.u32 $0x7F, v32;
	v17 =	vld.idx.msk [tilespmem:v18+s10+$0x0], $0xffff  }
0xc2: {  	v34 =	vor.u32 v8, v33  }
0xc3: {  	v35 =	vld [tilespmem:$0x150];
	v18 =	vor.u32 v9, v33;
	_ =	sdelay $0x1  }
0xc4: {  	[tilespmem:$0x10630] =	vst v16  }
0xc5: {  	[tilespmem:$0x106B0] =	vst v17  }
0xc6: {  	v16 =	vld.idx.msk [tilespmem:v34+s10+$0x0], $0xffff  }
0xc7: {  	v36 =	vand.u32 $0x7F, v35;
	v17 =	vld.idx.msk [tilespmem:v18+s10+$0x0], $0xffff  }
0xc8: {  	v37 =	vor.u32 v10, v36  }
0xc9: {  	v38 =	vld [tilespmem:$0x160];
	v18 =	vor.u32 v11, v36;
	_ =	sdelay $0x1  }
0xca: {  	[tilespmem:$0x10640] =	vst v16  }
0xcb: {  	[tilespmem:$0x106C0] =	vst v17  }
0xcc: {  	v16 =	vld.idx.msk [tilespmem:v37+s10+$0x0], $0xffff  }
0xcd: {  	v39 =	vand.u32 $0x7F, v38;
	v17 =	vld.idx.msk [tilespmem:v18+s10+$0x0], $0xffff  }
0xce: {  	v40 =	vor.u32 v12, v39  }
0xcf: {  	v41 =	vld [tilespmem:$0x170];
	v18 =	vor.u32 v13, v39;
	_ =	sdelay $0x1  }
0xd0: {  	[tilespmem:$0x10650] =	vst v16  }
0xd1: {  	[tilespmem:$0x106D0] =	vst v17  }
0xd2: {  	v16 =	vld.idx.msk [tilespmem:v40+s10+$0x0], $0xffff  }
0xd3: {  	v42 =	vand.u32 $0x7F, v41;
	v17 =	vld.idx.msk [tilespmem:v18+s10+$0x0], $0xffff  }
0xd4: {  	v43 =	vor.u32 v14, v42  }
0xd5: {  	v18 =	vor.u32 v15, v42;
	_ =	sdelay $0x1  }
0xd6: {  	[tilespmem:$0x10660] =	vst v16  }
0xd7: {  	[tilespmem:$0x106E0] =	vst v17  }
0xd8: {  	v16 =	vld.idx.msk [tilespmem:v43+s10+$0x0], $0xffff  }
0xd9: {  	v17 =	vld.idx.msk [tilespmem:v18+s10+$0x0], $0xffff;
	_ =	sdelay $0x3  }
0xda: {  	[tilespmem:$0x10670] =	vst v16  }
0xdb: {  	[tilespmem:$0x106F0] =	vst v17  }
0xdc: {  	_ =	swait.ge [sflag:s15], $0x8000  }
0xdd: {  	[sflag:s15] =	ssyncset.done $0x0  }
0xde: {  	[sflag:s15] =	ssyncadd.s32 $0xFFFF8000  }
0xdf: {  	v16 =	vld [tilespmem:$0x180];
	_ =	sdelay $0x4  }
0xe0: {  	v16 =	vand.u32 $0x7F, v16  }
0xe1: {  	v17 =	vor.u32 v0, v16  }
0xe2: {  	v44 =	vld [tilespmem:$0x190];
	v16 =	vor.u32 v1, v16;
	_ =	sdelay $0x3  }
0xe3: {  	v17 =	vld.idx.msk [tilespmem:v17+s12+$0x0], $0xffff  }
0xe4: {  	v18 =	vand.u32 $0x7F, v44;
	v16 =	vld.idx.msk [tilespmem:v16+s12+$0x0], $0xffff  }
0xe5: {  	v45 =	vor.u32 v2, v18  }
0xe6: {  	v46 =	vld [tilespmem:$0x1A0];
	v18 =	vor.u32 v3, v18;
	_ =	sdelay $0x1  }
0xe7: {  	[tilespmem:$0x10700] =	vst v17  }
0xe8: {  	[tilespmem:$0x10780] =	vst v16  }
0xe9: {  	v16 =	vld.idx.msk [tilespmem:v45+s12+$0x0], $0xffff  }
0xea: {  	v47 =	vand.u32 $0x7F, v46;
	v17 =	vld.idx.msk [tilespmem:v18+s12+$0x0], $0xffff  }
0xeb: {  	v48 =	vor.u32 v4, v47  }
0xec: {  	v49 =	vld [tilespmem:$0x1B0];
	v18 =	vor.u32 v5, v47;
	_ =	sdelay $0x1  }
0xed: {  	[tilespmem:$0x10710] =	vst v16  }
0xee: {  	[tilespmem:$0x10790] =	vst v17  }
0xef: {  	v16 =	vld.idx.msk [tilespmem:v48+s12+$0x0], $0xffff  }
0xf0: {  	v50 =	vand.u32 $0x7F, v49;
	v17 =	vld.idx.msk [tilespmem:v18+s12+$0x0], $0xffff  }
0xf1: {  	v51 =	vor.u32 v6, v50  }
0xf2: {  	v52 =	vld [tilespmem:$0x1C0];
	v18 =	vor.u32 v7, v50;
	_ =	sdelay $0x1  }
0xf3: {  	[tilespmem:$0x10720] =	vst v16  }
0xf4: {  	[tilespmem:$0x107A0] =	vst v17  }
0xf5: {  	v16 =	vld.idx.msk [tilespmem:v51+s12+$0x0], $0xffff  }
0xf6: {  	v53 =	vand.u32 $0x7F, v52;
	v17 =	vld.idx.msk [tilespmem:v18+s12+$0x0], $0xffff  }
0xf7: {  	v54 =	vor.u32 v8, v53  }
0xf8: {  	v55 =	vld [tilespmem:$0x1D0];
	v18 =	vor.u32 v9, v53;
	_ =	sdelay $0x1  }
0xf9: {  	[tilespmem:$0x10730] =	vst v16  }
0xfa: {  	[tilespmem:$0x107B0] =	vst v17  }
0xfb: {  	v16 =	vld.idx.msk [tilespmem:v54+s12+$0x0], $0xffff  }
0xfc: {  	v56 =	vand.u32 $0x7F, v55;
	v17 =	vld.idx.msk [tilespmem:v18+s12+$0x0], $0xffff  }
0xfd: {  	v57 =	vor.u32 v10, v56  }
0xfe: {  	v58 =	vld [tilespmem:$0x1E0];
	v18 =	vor.u32 v11, v56;
	_ =	sdelay $0x1  }
0xff: {  	[tilespmem:$0x10740] =	vst v16  }
0x100: {  	[tilespmem:$0x107C0] =	vst v17  }
0x101: {  	v16 =	vld.idx.msk [tilespmem:v57+s12+$0x0], $0xffff  }
0x102: {  	v59 =	vand.u32 $0x7F, v58;
	v17 =	vld.idx.msk [tilespmem:v18+s12+$0x0], $0xffff  }
0x103: {  	v60 =	vor.u32 v12, v59  }
0x104: {  	v61 =	vld [tilespmem:$0x1F0];
	v18 =	vor.u32 v13, v59;
	_ =	sdelay $0x1  }
0x105: {  	[tilespmem:$0x10750] =	vst v16  }
0x106: {  	[tilespmem:$0x107D0] =	vst v17  }
0x107: {  	v16 =	vld.idx.msk [tilespmem:v60+s12+$0x0], $0xffff  }
0x108: {  	v62 =	vand.u32 $0x7F, v61;
	v17 =	vld.idx.msk [tilespmem:v18+s12+$0x0], $0xffff  }
0x109: {  	v63 =	vor.u32 v14, v62  }
0x10a: {  	v18 =	vor.u32 v15, v62;
	_ =	sdelay $0x1  }
0x10b: {  	[tilespmem:$0x10760] =	vst v16  }
0x10c: {  	[tilespmem:$0x107E0] =	vst v17  }
0x10d: {  	v16 =	vld.idx.msk [tilespmem:v63+s12+$0x0], $0xffff  }
0x10e: {  	v17 =	vld.idx.msk [tilespmem:v18+s12+$0x0], $0xffff;
	_ =	sdelay $0x3  }
0x10f: {  	p0 =	sne.s32 s6, $0x1;
	[tilespmem:$0x10770] =	vst v16  }
.Ltmp0:
0x110: {  	[tilespmem:$0x107F0] =	vst v17;
	(pc) =	sbr.rel @p0 .LBB2_1-.Ltmp0, $4  }
0x111: {  	[hbm4b:s5+s2] =	stream.linear.scatter [tilespmem:s17], [sflag:$0x3], $0x400, $0x38;
	[tilespmem:$0x10800] =	vst v63  }
0x112: {  	_ =	swait.ge [sflag:s7], $0x400  }
0x113: {  	[sflag:s7] =	ssyncset.done $0x0  }
0x114: {  	s6 =	sadd.s32 $0xFFFFFFFF, s6;
	[sflag:s7] =	ssyncadd.s32 $0xFFFFFC00  }
0x115: {  	_ =	sfence.sel $0x180000  }
0x116: {  	[bflag:$0x0] =	sbarrier.arrive $0xFFFF  }
0x117: {  	p0 =	sne.s32 s1, $0x0;
	_ =	strace $0x90000047  }
0x118: {  	s0 =	sadd.s32 @!p0 $0x100000, s0;
	[bflag:$0x2] =	sbarrier.arrive $0xFFFF  }
0x119: {  	[sflag:s0] =	ssyncadd.tile.s32 @!p0 $0x1;
	_ =	shalt  }
.Lfunc_end2:
_tile_overlayer_lowered:
.L_overlay_start_2:
0x11a: {  	(tag) =	ssettag $0x2  }
0x11b: {  	s0 =	rddreg [dreg:$0x0];
	s2 =	stileid.u32  }
0x11c: {  	s1 =	rddreg [dreg:$0x1];
	p0 =	sne.s32 s2, $0x0  }
0x11d: {  	s3 =	rddreg [dreg:$0x2];
	[bflag:$0x3] =	sbarrier.arrive $0xFFFF;
	s2 =	simm.s32 @!p0 $0x1C03  }
0x11e: {  	[timem:s3], [sflag:s2] =	dma.local @!p0 [hbm:s0], s1  }
0x11f: {  	s0 =	simm.s32 @!p0 $0x3  }
0x120: {  	_ =	swait.ge @!p0 [sflag:s0], s1  }
0x121: {  	s1 =	ssub.s32 @!p0 $0x0, s1;
	[sflag:s0] =	ssyncset.done @!p0 $0x0  }
0x122: {  	[sflag:s0] =	ssyncadd.s32 @!p0 s1  }
0x123: {  	[bflag:$0x3] =	sbarrier.arrive $0xFFFF  }
0x124: {  	_ =	shalt  }

</sc_bundles>
